<compile_context>
chip_gen: v7x
topology: tpu7x:2x2x1
jax: 0.10.2.dev20260603
libtpu: 0.0.44.dev20260713+nightly
codegen_flags: <defaults>
</compile_context>

<pallas_src>
import functools

import jax
import jax.numpy as jnp
from jax import lax
from jax.experimental import pallas as pl
from jax.experimental.pallas import tpu as pltpu
from jax.experimental.pallas import tpu_sc as plsc

TM = 128


def _route_metadata(type_embeddings, W_gate, types_tok, n_experts, rows, tiles):
    n = types_tok.shape[0]
    n_types = type_embeddings.shape[0]
    n_pairs = n_experts * n_experts
    ar_t = jnp.arange(n_types, dtype=jnp.int32)

    logits = type_embeddings @ W_gate
    topk_logits, topk_idx = jax.lax.top_k(logits, 2)
    w = jax.nn.softmax(topk_logits, axis=-1)
    e0_t = topk_idx[:, 0].astype(jnp.int32)
    e1_t = topk_idx[:, 1].astype(jnp.int32)
    pid_t = e0_t * n_experts + e1_t

    oh_tok = (types_tok[:, None] == ar_t[None, :]).astype(jnp.float32)
    cnt_t = oh_tok.sum(axis=0)

    oh_tp = (pid_t[:, None] == jnp.arange(n_pairs, dtype=jnp.int32)[None, :])
    oh_tp = oh_tp.astype(jnp.float32)
    cnt_p = (cnt_t[:, None] * oh_tp).sum(axis=0)
    padded_p = jnp.ceil(cnt_p / TM) * TM
    pair_start = jnp.cumsum(padded_p) - padded_p

    same_pair = (pid_t[:, None] == pid_t[None, :]).astype(jnp.float32)
    before = same_pair * (ar_t[None, :] < ar_t[:, None]).astype(jnp.float32)
    before_t = (before * cnt_t[None, :]).sum(axis=1)
    start_t = (oh_tp * pair_start[None, :]).sum(axis=1) + before_t

    nblk = 128
    sblk = n // nblk
    ohb = oh_tok.reshape(nblk, sblk, n_types)
    blk_tot = ohb.sum(axis=1)
    blk_off = jnp.cumsum(blk_tot, axis=0) - blk_tot
    within = jnp.cumsum(ohb, axis=1) - ohb
    rank_tok = ((within + blk_off[:, None, :]) * ohb).sum(-1).reshape(n)
    start_tok = (oh_tok * start_t[None, :]).sum(axis=1)
    dest = (start_tok + rank_tok).astype(jnp.int32)

    wtable = w.astype(jnp.float32)

    tile_base = jnp.arange(tiles, dtype=jnp.float32) * TM
    pair_end = pair_start + padded_p
    in_p = (tile_base[:, None] >= pair_start[None, :]) & (
        tile_base[:, None] < pair_end[None, :])
    pids = jnp.arange(n_pairs, dtype=jnp.int32)[None, :]
    tile_pid = (in_p.astype(jnp.int32) * pids).sum(axis=1)
    valid = in_p.any(axis=1).astype(jnp.int32)
    e0_tile = tile_pid // n_experts
    e1_tile = tile_pid % n_experts
    return dest, wtable, e0_tile, e1_tile, valid


def _make_sc_invert(n, rows, nw):
    mesh = plsc.VectorSubcoreMesh(core_axis_name="c", subcore_axis_name="s")

    @functools.partial(
        pl.kernel, mesh=mesh,
        compiler_params=pltpu.CompilerParams(needs_layout_passes=False),
        out_type=[
            jax.ShapeDtypeStruct((rows,), jnp.int32),
            jax.ShapeDtypeStruct((rows,), jnp.int32),
        ],
        scratch_types=[
            pltpu.VMEM((rows,), jnp.int32),
            pltpu.VMEM((rows,), jnp.int32),
            pltpu.VMEM((n,), jnp.int32),
            pltpu.VMEM((n,), jnp.int32),
        ],
    )
    def invert_k(dest_hbm, types_hbm, src_hbm, rtype_hbm, inv_v, rt_v, dest_v, type_v):
        wid = lax.axis_index("s") * 2 + lax.axis_index("c")

        @pl.when(wid == 0)
        def _():
            pltpu.sync_copy(dest_hbm, dest_v)
            pltpu.sync_copy(types_hbm, type_v)
            zeros = jnp.zeros((16,), jnp.int32)
            lane0 = jax.lax.iota(jnp.int32, 16)

            def zbody(j, carry):
                v = lane0 + j * 16
                v = jnp.where(v >= n, v - n, v)
                inv_v[pl.ds(j * 16, 16)] = v
                rt_v[pl.ds(j * 16, 16)] = zeros
                return carry

            lax.fori_loop(0, rows // 16, zbody, 0)
            lane = jax.lax.iota(jnp.int32, 16)

            def body(j, carry):
                idx = dest_v[pl.ds(j * 16, 16)]
                plsc.store_scatter(inv_v, [idx], lane + j * 16)
                plsc.store_scatter(rt_v, [idx], type_v[pl.ds(j * 16, 16)])
                return carry

            lax.fori_loop(0, n // 16, body, 0)
            pltpu.sync_copy(inv_v, src_hbm)
            pltpu.sync_copy(rt_v, rtype_hbm)

    return invert_k


def _make_sc_dispatch(n, rows, nw, dm):
    nrow = rows // nw
    c = 32
    nch = nrow // c
    mesh = plsc.VectorSubcoreMesh(core_axis_name="c", subcore_axis_name="s")

    @functools.partial(
        pl.kernel, mesh=mesh,
        out_type=jax.ShapeDtypeStruct((rows, dm), jnp.float32),
        scratch_types=[
            pltpu.VMEM((nrow,), jnp.int32),
            pltpu.VMEM((2, c, dm), jnp.float32),
            pltpu.SemaphoreType.DMA,
            pltpu.SemaphoreType.DMA,
            pltpu.SemaphoreType.DMA,
            pltpu.SemaphoreType.DMA,
        ],
    )
    def dispatch_k(x_hbm, src_hbm, xs_hbm, idx_all, rows_v, sin0, sin1, sout0, sout1):
        sin = [sin0, sin1]
        sout = [sout0, sout1]
        wid = lax.axis_index("s") * 2 + lax.axis_index("c")
        base = wid * nrow
        pltpu.sync_copy(src_hbm.at[pl.ds(base, nrow)], idx_all)

        def body(j2, carry):
            j0 = j2 * 2
            gin = []
            for b in range(2):
                idxs = idx_all.at[pl.ds((j0 + b) * c, c)]
                g = pltpu.make_async_copy(x_hbm.at[idxs], rows_v.at[b], sin[b])
                g.start()
                gin.append(g)
            gout = []
            for b in range(2):
                off = base + (j0 + b) * c
                gin[b].wait()
                o = pltpu.make_async_copy(rows_v.at[b], xs_hbm.at[pl.ds(off, c)], sout[b])
                o.start()
                gout.append(o)
            for b in range(2):
                gout[b].wait()
            return carry

        lax.fori_loop(0, nch // 2, body, 0)

    return dispatch_k


def _make_sc_gather(n, rows, nw, dm):
    ntok = n // nw
    c = 32
    nch = ntok // c
    mesh = plsc.VectorSubcoreMesh(core_axis_name="c", subcore_axis_name="s")

    @functools.partial(
        pl.kernel, mesh=mesh,
        out_type=jax.ShapeDtypeStruct((n, dm), jnp.float32),
        scratch_types=[
            pltpu.VMEM((ntok,), jnp.int32),
            pltpu.VMEM((2, c, dm), jnp.float32),
            pltpu.SemaphoreType.DMA,
            pltpu.SemaphoreType.DMA,
            pltpu.SemaphoreType.DMA,
            pltpu.SemaphoreType.DMA,
        ],
    )
    def gather_k(ys_hbm, dest_hbm, out_hbm, idx_all, rows_v, sin0, sin1, sout0, sout1):
        sin = [sin0, sin1]
        sout = [sout0, sout1]
        wid = lax.axis_index("s") * 2 + lax.axis_index("c")
        base = wid * ntok
        pltpu.sync_copy(dest_hbm.at[pl.ds(base, ntok)], idx_all)

        def body(j2, carry):
            j0 = j2 * 2
            gin = []
            for b in range(2):
                idxs = idx_all.at[pl.ds((j0 + b) * c, c)]
                g = pltpu.make_async_copy(ys_hbm.at[idxs], rows_v.at[b], sin[b])
                g.start()
                gin.append(g)
            gout = []
            for b in range(2):
                off = base + (j0 + b) * c
                gin[b].wait()
                o = pltpu.make_async_copy(rows_v.at[b], out_hbm.at[pl.ds(off, c)], sout[b])
                o.start()
                gout.append(o)
            for b in range(2):
                gout[b].wait()
            return carry

        lax.fori_loop(0, nch // 2, body, 0)

    return gather_k


def _mm_body(e0_ref, e1_ref, val_ref, x_ref, w_ref, b_ref, rt_ref, wt_ref, out_ref):
    t = pl.program_id(0)

    @pl.when(val_ref[t] == 1)
    def _():
        e0 = e0_ref[t]
        e1 = e1_ref[t]
        x = x_ref[...].astype(jnp.bfloat16)
        tm, n_types = x_ref.shape[0], wt_ref.shape[0]
        lanes = jax.lax.broadcasted_iota(jnp.int32, (tm, n_types), 1)
        oh = (rt_ref[...] == lanes).astype(jnp.float32)
        w0 = jnp.sum(oh * wt_ref[:, 0][None, :], axis=1, keepdims=True)
        w1 = jnp.sum(oh * wt_ref[:, 1][None, :], axis=1, keepdims=True)
        y0 = jnp.tanh(jnp.dot(x, w_ref[e0], preferred_element_type=jnp.float32)
                      + b_ref[e0][None, :])
        y1 = jnp.tanh(jnp.dot(x, w_ref[e1], preferred_element_type=jnp.float32)
                      + b_ref[e1][None, :])
        out_ref[...] = w0 * y0 + w1 * y1


def kernel(x, type_embeddings, atom_types, W_gate, W_experts, b_experts):
    nb, nloc, d_in = x.shape
    n_experts, _, d_out = W_experts.shape
    n = nb * nloc
    n_pairs = n_experts * n_experts
    rows = n + n_pairs * TM
    tiles = rows // TM
    nw = 32

    types_tok = atom_types.reshape(n).astype(jnp.int32)
    dest, wtable, e0_tile, e1_tile, valid = _route_metadata(
        type_embeddings, W_gate, types_tok, n_experts, rows, tiles)

    x2d = x.reshape(n, d_in)
    w_bf = W_experts.astype(jnp.bfloat16)

    src, rowtype = _make_sc_invert(n, rows, nw)(dest, types_tok)
    xs = _make_sc_dispatch(n, rows, nw, d_in)(x2d, src)

    ys = pl.pallas_call(
        _mm_body,
        grid_spec=pltpu.PrefetchScalarGridSpec(
            num_scalar_prefetch=3,
            grid=(tiles,),
            in_specs=[
                pl.BlockSpec((TM, d_in), lambda i, *_: (i, 0)),
                pl.BlockSpec((n_experts, d_in, d_out), lambda i, *_: (0, 0, 0)),
                pl.BlockSpec((n_experts, d_out), lambda i, *_: (0, 0)),
                pl.BlockSpec((TM, 1), lambda i, *_: (i, 0)),
                pl.BlockSpec((type_embeddings.shape[0], 2), lambda i, *_: (0, 0)),
            ],
            out_specs=pl.BlockSpec((TM, d_out), lambda i, *_: (i, 0)),
        ),
        out_shape=jax.ShapeDtypeStruct((rows, d_out), jnp.float32),
        compiler_params=pltpu.CompilerParams(
            dimension_semantics=("arbitrary",),
        ),
    )(e0_tile, e1_tile, valid, xs, w_bf, b_experts,
      rowtype.reshape(rows, 1), wtable)

    out = _make_sc_gather(n, rows, nw, d_out)(ys, dest)
    return out.reshape(nb, nloc, d_out)

# --- scband reference (transcript-rebuilt; emitter-appended) ---
"""Pipeline reference for scband-mo-elayer-50268297232581 (READ-ONLY COPY).

The authoritative reference and input builder live on the scoring server;
editing this copy changes nothing except your own understanding.
"""

import jax, jax.numpy as jnp
import numpy as np

NB, NLOC, D_IN, D_OUT = 4, 4096, 1024, 1024
NTYPES, TEBD = 128, 128
E, TOP_K = 8, 2  # share_expert=0 -> routed_experts=8, routed_top_k=2


def setup_inputs(seed: int = 0) -> dict:
    key = jax.random.key(seed)
    k1, k2, k3, k4, k5, k6 = jax.random.split(key, 6)
    x = jax.random.normal(k1, (NB, NLOC, D_IN), dtype=jnp.float32)
    type_embeddings = jax.random.normal(k2, (NTYPES, TEBD), dtype=jnp.float32)
    atom_types = jax.random.randint(k3, (NB, NLOC), 0, NTYPES, dtype=jnp.int64)
    W_gate = jax.random.normal(k4, (TEBD, E), dtype=jnp.float32) * 0.05
    W_experts = jax.random.normal(k5, (E, D_IN, D_OUT), dtype=jnp.float32) * 0.02
    b_experts = jax.random.normal(k6, (E, D_OUT), dtype=jnp.float32) * 0.02
    return {"x": x, "type_embeddings": type_embeddings, "atom_types": atom_types,
            "W_gate": W_gate, "W_experts": W_experts, "b_experts": b_experts}


def reference(x, type_embeddings, atom_types, W_gate, W_experts, b_experts):
    # --- router: type-based gating (gate MLPLayer, bias=False, no activation) ---
    logits = type_embeddings @ W_gate                     # [ntypes, E]
    topk_logits, topk_idx = jax.lax.top_k(logits, TOP_K)  # [ntypes, top_k]
    weights = jax.nn.softmax(topk_logits, axis=-1)        # [ntypes, top_k]
    atom_weights = weights[atom_types]                    # gather: [nb, nloc, top_k]
    atom_indices = topk_idx[atom_types]                   # gather: [nb, nloc, top_k]
    # --- batched MoE path: every expert applied to full input ---
    # expert MLPLayer: tanh(x @ W + b)
    expert_out = jnp.tanh(jnp.einsum('bnd,edf->benf', x, W_experts)
                          + b_experts[None, :, None, :])  # [nb, E, nloc, d_out]
    # per_expert_weight via scatter-add of top-k weights into expert slots
    one_hot = jax.nn.one_hot(atom_indices, E, dtype=x.dtype)      # [nb, nloc, top_k, E]
    per_expert_weight = jnp.sum(one_hot * atom_weights[..., None], axis=2)  # [nb, nloc, E]
    output = jnp.einsum('benf,bne->bnf', expert_out, per_expert_weight)     # [nb, nloc, d_out]
    return output


if False:  # reference __main__ guard neutralized (emitter)
    inp = setup_inputs()
    out = reference(**inp)
    print(out.shape, out.dtype)

if __name__ == "__main__":
    import jax
    _d = setup_inputs()
    print(jax.jit(kernel)(*tuple(_d.values())))

</pallas_src>

<mosaic_0001>
#map = affine_map<(d0, d1) -> (0, 0)>
#map1 = affine_map<(d0, d1) -> (0)>
module attributes {stable_mosaic.version = 14 : i64} {
  func.func @dispatch_k(%arg0: i32, %arg1: i32, %arg2: memref<16384x1024xf32, #tpu.memory_space<hbm>>, %arg3: memref<24576xi32, #tpu.memory_space<hbm>>, %arg4: memref<24576x1024xf32, #tpu.memory_space<hbm>>, %arg5: memref<768xi32, #tpu.memory_space<vmem>>, %arg6: memref<2x32x1024xf32, #tpu.memory_space<vmem>>, %arg7: memref<!tpu.dma_semaphore, #tpu.memory_space<semaphore_mem>>, %arg8: memref<!tpu.dma_semaphore, #tpu.memory_space<semaphore_mem>>, %arg9: memref<!tpu.dma_semaphore, #tpu.memory_space<semaphore_mem>>, %arg10: memref<!tpu.dma_semaphore, #tpu.memory_space<semaphore_mem>>) attributes {dimension_semantics = [#tpu.dimension_semantics<core_parallel>, #tpu.dimension_semantics<subcore_parallel>], iteration_bounds = array<i64: 2, 16>, scalar_prefetch = 0 : i64, scratch_operands = 6 : i64, tpu.core_type = #tpu.core_type<sc_vector_subcore>, window_params = [{transform_indices = #map}, {transform_indices = #map1}, {transform_indices = #map}]} {
    %mul3A = arith.constant 2 : i32
    %mul3A_0 = arith.muli %arg1, %mul3A : i32
    %add3A = arith.addi %mul3A_0, %arg0 : i32
    %mul3A_1 = arith.constant 768 : i32
    %mul3A_2 = arith.muli %add3A, %mul3A_1 : i32
    "tpu.region"() ({
      %run_scoped3A = tpu.sem_alloc : memref<!tpu.dma_semaphore, #tpu.memory_space<semaphore_mem>>
      %dma_start3A = tpu.memref_slice %arg3[%mul3A_2] : memref<24576xi32, #tpu.memory_space<hbm>> -> memref<768xi32, #tpu.memory_space<hbm>>
      %dma_start3A_8 = tpu.memref_slice %arg3[%mul3A_2] : memref<24576xi32, #tpu.memory_space<hbm>> -> memref<768xi32, #tpu.memory_space<hbm>>
      tpu.enqueue_dma source(%dma_start3A_8 : memref<768xi32, #tpu.memory_space<hbm>>) target(%arg5 : memref<768xi32, #tpu.memory_space<vmem>>) target_semaphore(%run_scoped3A : memref<!tpu.dma_semaphore, #tpu.memory_space<semaphore_mem>>)
      %dma_wait3A = tpu.memref_slice %arg3[%mul3A_2] : memref<24576xi32, #tpu.memory_space<hbm>> -> memref<768xi32, #tpu.memory_space<hbm>>
      %dma_wait3A_9 = tpu.memref_slice %arg3[%mul3A_2] : memref<24576xi32, #tpu.memory_space<hbm>> -> memref<768xi32, #tpu.memory_space<hbm>>
      tpu.wait_dma2 semaphore(%run_scoped3A : memref<!tpu.dma_semaphore, #tpu.memory_space<semaphore_mem>>) src(%dma_wait3A_9 : memref<768xi32, #tpu.memory_space<hbm>>) dst(%arg5 : memref<768xi32, #tpu.memory_space<vmem>>)
      tpu.yield
    }) : () -> ()
    %scan3A = arith.constant 0 : i32
    %scan3A_3 = arith.constant 0 : i32
    %scan3A_4 = arith.constant 12 : i32
    %scan3A_5 = arith.addi %scan3A_3, %scan3A_4 : i32
    %scan3A_6 = arith.constant 1 : i32
    scf.for %scan3A_8 = %scan3A_3 to %scan3A_5 step %scan3A_6  : i32 {
      %mul3A_9 = arith.constant 2 : i32
      %mul3A_10 = arith.muli %scan3A_8, %mul3A_9 : i32
      %add3A_11 = arith.constant 0 : i32
      %add3A_12 = arith.addi %mul3A_10, %add3A_11 : i32
      %mul3A_13 = arith.constant 32 : i32
      %mul3A_14 = arith.muli %add3A_12, %mul3A_13 : i32
      %dma_start3A = arith.constant 0 : i32
      %dma_start3A_15 = arith.constant 0 : i32
      %dma_start3A_16 = arith.constant 0 : i32
      %dma_start3A_17 = tpu.memref_slice %arg6[%dma_start3A, %dma_start3A_15, %dma_start3A_16] : memref<2x32x1024xf32, #tpu.memory_space<vmem>> -> memref<1x32x1024xf32, #tpu.memory_space<vmem>>
      %dma_start3A_18 = tpu.memref_squeeze %dma_start3A_17 : memref<1x32x1024xf32, #tpu.memory_space<vmem>> -> memref<32x1024xf32, #tpu.memory_space<vmem>>
      %dma_start3A_19 = tpu.memref_slice %arg5[%mul3A_14] : memref<768xi32, #tpu.memory_space<vmem>> -> memref<32xi32, #tpu.memory_space<vmem>>
      %dma_start3A_20 = arith.constant 0 : i32
      %dma_start3A_21 = arith.constant 0 : i32
      %dma_start3A_22 = tpu.memref_slice %arg2[%dma_start3A_20, %dma_start3A_21] : memref<16384x1024xf32, #tpu.memory_space<hbm>> -> memref<16384x1024xf32, #tpu.memory_space<hbm>>
      tpu.enqueue_indirect_dma source(%dma_start3A_22 : memref<16384x1024xf32, #tpu.memory_space<hbm>>) target(%dma_start3A_18 : memref<32x1024xf32, #tpu.memory_space<vmem>>) offsets(%dma_start3A_19 : memref<32xi32, #tpu.memory_space<vmem>>) semaphore(%arg7 : memref<!tpu.dma_semaphore, #tpu.memory_space<semaphore_mem>>)
      %add3A_23 = arith.constant 1 : i32
      %add3A_24 = arith.addi %mul3A_10, %add3A_23 : i32
      %mul3A_25 = arith.constant 32 : i32
      %mul3A_26 = arith.muli %add3A_24, %mul3A_25 : i32
      %dma_start3A_27 = arith.constant 1 : i32
      %dma_start3A_28 = arith.constant 0 : i32
      %dma_start3A_29 = arith.constant 0 : i32
      %dma_start3A_30 = tpu.memref_slice %arg6[%dma_start3A_27, %dma_start3A_28, %dma_start3A_29] : memref<2x32x1024xf32, #tpu.memory_space<vmem>> -> memref<1x32x1024xf32, #tpu.memory_space<vmem>>
      %dma_start3A_31 = tpu.memref_squeeze %dma_start3A_30 : memref<1x32x1024xf32, #tpu.memory_space<vmem>> -> memref<32x1024xf32, #tpu.memory_space<vmem>>
      %dma_start3A_32 = tpu.memref_slice %arg5[%mul3A_26] : memref<768xi32, #tpu.memory_space<vmem>> -> memref<32xi32, #tpu.memory_space<vmem>>
      %dma_start3A_33 = arith.constant 0 : i32
      %dma_start3A_34 = arith.constant 0 : i32
      %dma_start3A_35 = tpu.memref_slice %arg2[%dma_start3A_33, %dma_start3A_34] : memref<16384x1024xf32, #tpu.memory_space<hbm>> -> memref<16384x1024xf32, #tpu.memory_space<hbm>>
      tpu.enqueue_indirect_dma source(%dma_start3A_35 : memref<16384x1024xf32, #tpu.memory_space<hbm>>) target(%dma_start3A_31 : memref<32x1024xf32, #tpu.memory_space<vmem>>) offsets(%dma_start3A_32 : memref<32xi32, #tpu.memory_space<vmem>>) semaphore(%arg8 : memref<!tpu.dma_semaphore, #tpu.memory_space<semaphore_mem>>)
      %add3A_36 = arith.constant 0 : i32
      %add3A_37 = arith.addi %mul3A_10, %add3A_36 : i32
      %mul3A_38 = arith.constant 32 : i32
      %mul3A_39 = arith.muli %add3A_37, %mul3A_38 : i32
      %add3A_40 = arith.addi %mul3A_2, %mul3A_39 : i32
      %dma_wait3A = arith.constant 0 : i32
      %dma_wait3A_41 = arith.constant 0 : i32
      %dma_wait3A_42 = arith.constant 0 : i32
      %dma_wait3A_43 = tpu.memref_slice %arg6[%dma_wait3A, %dma_wait3A_41, %dma_wait3A_42] : memref<2x32x1024xf32, #tpu.memory_space<vmem>> -> memref<1x32x1024xf32, #tpu.memory_space<vmem>>
      %dma_wait3A_44 = tpu.memref_squeeze %dma_wait3A_43 : memref<1x32x1024xf32, #tpu.memory_space<vmem>> -> memref<32x1024xf32, #tpu.memory_space<vmem>>
      %dma_wait3A_45 = tpu.memref_slice %arg5[%mul3A_14] : memref<768xi32, #tpu.memory_space<vmem>> -> memref<32xi32, #tpu.memory_space<vmem>>
      %dma_wait3A_46 = arith.constant 0 : i32
      %dma_wait3A_47 = arith.constant 0 : i32
      %dma_wait3A_48 = tpu.memref_slice %arg2[%dma_wait3A_46, %dma_wait3A_47] : memref<16384x1024xf32, #tpu.memory_space<hbm>> -> memref<16384x1024xf32, #tpu.memory_space<hbm>>
      tpu.wait_indirect_dma semaphore(%arg7 : memref<!tpu.dma_semaphore, #tpu.memory_space<semaphore_mem>>) src(%dma_wait3A_48 : memref<16384x1024xf32, #tpu.memory_space<hbm>>) dst(%dma_wait3A_44 : memref<32x1024xf32, #tpu.memory_space<vmem>>)
      %dma_start3A_49 = arith.constant 0 : i32
      %dma_start3A_50 = arith.constant 0 : i32
      %dma_start3A_51 = arith.constant 0 : i32
      %dma_start3A_52 = tpu.memref_slice %arg6[%dma_start3A_49, %dma_start3A_50, %dma_start3A_51] : memref<2x32x1024xf32, #tpu.memory_space<vmem>> -> memref<1x32x1024xf32, #tpu.memory_space<vmem>>
      %dma_start3A_53 = tpu.memref_squeeze %dma_start3A_52 : memref<1x32x1024xf32, #tpu.memory_space<vmem>> -> memref<32x1024xf32, #tpu.memory_space<vmem>>
      %dma_start3A_54 = arith.constant 0 : i32
      %dma_start3A_55 = tpu.memref_slice %arg4[%add3A_40, %dma_start3A_54] : memref<24576x1024xf32, #tpu.memory_space<hbm>> -> memref<32x1024xf32, #tpu.memory_space<hbm>>
      %dma_start3A_56 = arith.constant 0 : i32
      %dma_start3A_57 = tpu.memref_slice %arg4[%add3A_40, %dma_start3A_56] : memref<24576x1024xf32, #tpu.memory_space<hbm>> -> memref<32x1024xf32, #tpu.memory_space<hbm>>
      %dma_start3A_58 = arith.constant 0 : i32
      %dma_start3A_59 = arith.constant 0 : i32
      %dma_start3A_60 = tpu.memref_slice %arg6[%dma_start3A_49, %dma_start3A_58, %dma_start3A_59] : memref<2x32x1024xf32, #tpu.memory_space<vmem>> -> memref<1x32x1024xf32, #tpu.memory_space<vmem>>
      %dma_start3A_61 = tpu.memref_squeeze %dma_start3A_60 : memref<1x32x1024xf32, #tpu.memory_space<vmem>> -> memref<32x1024xf32, #tpu.memory_space<vmem>>
      tpu.enqueue_dma source(%dma_start3A_61 : memref<32x1024xf32, #tpu.memory_space<vmem>>) target(%dma_start3A_57 : memref<32x1024xf32, #tpu.memory_space<hbm>>) target_semaphore(%arg9 : memref<!tpu.dma_semaphore, #tpu.memory_space<semaphore_mem>>)
      %add3A_62 = arith.constant 1 : i32
      %add3A_63 = arith.addi %mul3A_10, %add3A_62 : i32
      %mul3A_64 = arith.constant 32 : i32
      %mul3A_65 = arith.muli %add3A_63, %mul3A_64 : i32
      %add3A_66 = arith.addi %mul3A_2, %mul3A_65 : i32
      %dma_wait3A_67 = arith.constant 1 : i32
      %dma_wait3A_68 = arith.constant 0 : i32
      %dma_wait3A_69 = arith.constant 0 : i32
      %dma_wait3A_70 = tpu.memref_slice %arg6[%dma_wait3A_67, %dma_wait3A_68, %dma_wait3A_69] : memref<2x32x1024xf32, #tpu.memory_space<vmem>> -> memref<1x32x1024xf32, #tpu.memory_space<vmem>>
      %dma_wait3A_71 = tpu.memref_squeeze %dma_wait3A_70 : memref<1x32x1024xf32, #tpu.memory_space<vmem>> -> memref<32x1024xf32, #tpu.memory_space<vmem>>
      %dma_wait3A_72 = tpu.memref_slice %arg5[%mul3A_26] : memref<768xi32, #tpu.memory_space<vmem>> -> memref<32xi32, #tpu.memory_space<vmem>>
      %dma_wait3A_73 = arith.constant 0 : i32
      %dma_wait3A_74 = arith.constant 0 : i32
      %dma_wait3A_75 = tpu.memref_slice %arg2[%dma_wait3A_73, %dma_wait3A_74] : memref<16384x1024xf32, #tpu.memory_space<hbm>> -> memref<16384x1024xf32, #tpu.memory_space<hbm>>
      tpu.wait_indirect_dma semaphore(%arg8 : memref<!tpu.dma_semaphore, #tpu.memory_space<semaphore_mem>>) src(%dma_wait3A_75 : memref<16384x1024xf32, #tpu.memory_space<hbm>>) dst(%dma_wait3A_71 : memref<32x1024xf32, #tpu.memory_space<vmem>>)
      %dma_start3A_76 = arith.constant 1 : i32
      %dma_start3A_77 = arith.constant 0 : i32
      %dma_start3A_78 = arith.constant 0 : i32
      %dma_start3A_79 = tpu.memref_slice %arg6[%dma_start3A_76, %dma_start3A_77, %dma_start3A_78] : memref<2x32x1024xf32, #tpu.memory_space<vmem>> -> memref<1x32x1024xf32, #tpu.memory_space<vmem>>
      %dma_start3A_80 = tpu.memref_squeeze %dma_start3A_79 : memref<1x32x1024xf32, #tpu.memory_space<vmem>> -> memref<32x1024xf32, #tpu.memory_space<vmem>>
      %dma_start3A_81 = arith.constant 0 : i32
      %dma_start3A_82 = tpu.memref_slice %arg4[%add3A_66, %dma_start3A_81] : memref<24576x1024xf32, #tpu.memory_space<hbm>> -> memref<32x1024xf32, #tpu.memory_space<hbm>>
      %dma_start3A_83 = arith.constant 0 : i32
      %dma_start3A_84 = tpu.memref_slice %arg4[%add3A_66, %dma_start3A_83] : memref<24576x1024xf32, #tpu.memory_space<hbm>> -> memref<32x1024xf32, #tpu.memory_space<hbm>>
      %dma_start3A_85 = arith.constant 0 : i32
      %dma_start3A_86 = arith.constant 0 : i32
      %dma_start3A_87 = tpu.memref_slice %arg6[%dma_start3A_76, %dma_start3A_85, %dma_start3A_86] : memref<2x32x1024xf32, #tpu.memory_space<vmem>> -> memref<1x32x1024xf32, #tpu.memory_space<vmem>>
      %dma_start3A_88 = tpu.memref_squeeze %dma_start3A_87 : memref<1x32x1024xf32, #tpu.memory_space<vmem>> -> memref<32x1024xf32, #tpu.memory_space<vmem>>
      tpu.enqueue_dma source(%dma_start3A_88 : memref<32x1024xf32, #tpu.memory_space<vmem>>) target(%dma_start3A_84 : memref<32x1024xf32, #tpu.memory_space<hbm>>) target_semaphore(%arg10 : memref<!tpu.dma_semaphore, #tpu.memory_space<semaphore_mem>>)
      %dma_wait3A_89 = arith.constant 0 : i32
      %dma_wait3A_90 = arith.constant 0 : i32
      %dma_wait3A_91 = arith.constant 0 : i32
      %dma_wait3A_92 = tpu.memref_slice %arg6[%dma_wait3A_89, %dma_wait3A_90, %dma_wait3A_91] : memref<2x32x1024xf32, #tpu.memory_space<vmem>> -> memref<1x32x1024xf32, #tpu.memory_space<vmem>>
      %dma_wait3A_93 = tpu.memref_squeeze %dma_wait3A_92 : memref<1x32x1024xf32, #tpu.memory_space<vmem>> -> memref<32x1024xf32, #tpu.memory_space<vmem>>
      %dma_wait3A_94 = arith.constant 0 : i32
      %dma_wait3A_95 = tpu.memref_slice %arg4[%add3A_40, %dma_wait3A_94] : memref<24576x1024xf32, #tpu.memory_space<hbm>> -> memref<32x1024xf32, #tpu.memory_space<hbm>>
      %dma_wait3A_96 = arith.constant 0 : i32
      %dma_wait3A_97 = tpu.memref_slice %arg4[%add3A_40, %dma_wait3A_96] : memref<24576x1024xf32, #tpu.memory_space<hbm>> -> memref<32x1024xf32, #tpu.memory_space<hbm>>
      %dma_wait3A_98 = arith.constant 0 : i32
      %dma_wait3A_99 = arith.constant 0 : i32
      %dma_wait3A_100 = tpu.memref_slice %arg6[%dma_wait3A_89, %dma_wait3A_98, %dma_wait3A_99] : memref<2x32x1024xf32, #tpu.memory_space<vmem>> -> memref<1x32x1024xf32, #tpu.memory_space<vmem>>
      %dma_wait3A_101 = tpu.memref_squeeze %dma_wait3A_100 : memref<1x32x1024xf32, #tpu.memory_space<vmem>> -> memref<32x1024xf32, #tpu.memory_space<vmem>>
      tpu.wait_dma2 semaphore(%arg9 : memref<!tpu.dma_semaphore, #tpu.memory_space<semaphore_mem>>) src(%dma_wait3A_101 : memref<32x1024xf32, #tpu.memory_space<vmem>>) dst(%dma_wait3A_97 : memref<32x1024xf32, #tpu.memory_space<hbm>>)
      %dma_wait3A_102 = arith.constant 1 : i32
      %dma_wait3A_103 = arith.constant 0 : i32
      %dma_wait3A_104 = arith.constant 0 : i32
      %dma_wait3A_105 = tpu.memref_slice %arg6[%dma_wait3A_102, %dma_wait3A_103, %dma_wait3A_104] : memref<2x32x1024xf32, #tpu.memory_space<vmem>> -> memref<1x32x1024xf32, #tpu.memory_space<vmem>>
      %dma_wait3A_106 = tpu.memref_squeeze %dma_wait3A_105 : memref<1x32x1024xf32, #tpu.memory_space<vmem>> -> memref<32x1024xf32, #tpu.memory_space<vmem>>
      %dma_wait3A_107 = arith.constant 0 : i32
      %dma_wait3A_108 = tpu.memref_slice %arg4[%add3A_66, %dma_wait3A_107] : memref<24576x1024xf32, #tpu.memory_space<hbm>> -> memref<32x1024xf32, #tpu.memory_space<hbm>>
      %dma_wait3A_109 = arith.constant 0 : i32
      %dma_wait3A_110 = tpu.memref_slice %arg4[%add3A_66, %dma_wait3A_109] : memref<24576x1024xf32, #tpu.memory_space<hbm>> -> memref<32x1024xf32, #tpu.memory_space<hbm>>
      %dma_wait3A_111 = arith.constant 0 : i32
      %dma_wait3A_112 = arith.constant 0 : i32
      %dma_wait3A_113 = tpu.memref_slice %arg6[%dma_wait3A_102, %dma_wait3A_111, %dma_wait3A_112] : memref<2x32x1024xf32, #tpu.memory_space<vmem>> -> memref<1x32x1024xf32, #tpu.memory_space<vmem>>
      %dma_wait3A_114 = tpu.memref_squeeze %dma_wait3A_113 : memref<1x32x1024xf32, #tpu.memory_space<vmem>> -> memref<32x1024xf32, #tpu.memory_space<vmem>>
      tpu.wait_dma2 semaphore(%arg10 : memref<!tpu.dma_semaphore, #tpu.memory_space<semaphore_mem>>) src(%dma_wait3A_114 : memref<32x1024xf32, #tpu.memory_space<vmem>>) dst(%dma_wait3A_110 : memref<32x1024xf32, #tpu.memory_space<hbm>>)
    }
    %scan3A_7 = arith.constant 12 : i32
    return
  }
}

#map = affine_map<(d0, d1) -> (0, 0)>
#map1 = affine_map<(d0, d1) -> (0)>
module attributes {stable_mosaic.version = 14 : i64} {
  func.func @gather_k(%arg0: i32, %arg1: i32, %arg2: memref<24576x1024xf32, #tpu.memory_space<hbm>>, %arg3: memref<16384xi32, #tpu.memory_space<hbm>>, %arg4: memref<16384x1024xf32, #tpu.memory_space<hbm>>, %arg5: memref<512xi32, #tpu.memory_space<vmem>>, %arg6: memref<2x32x1024xf32, #tpu.memory_space<vmem>>, %arg7: memref<!tpu.dma_semaphore, #tpu.memory_space<semaphore_mem>>, %arg8: memref<!tpu.dma_semaphore, #tpu.memory_space<semaphore_mem>>, %arg9: memref<!tpu.dma_semaphore, #tpu.memory_space<semaphore_mem>>, %arg10: memref<!tpu.dma_semaphore, #tpu.memory_space<semaphore_mem>>) attributes {dimension_semantics = [#tpu.dimension_semantics<core_parallel>, #tpu.dimension_semantics<subcore_parallel>], iteration_bounds = array<i64: 2, 16>, scalar_prefetch = 0 : i64, scratch_operands = 6 : i64, tpu.core_type = #tpu.core_type<sc_vector_subcore>, window_params = [{transform_indices = #map}, {transform_indices = #map1}, {transform_indices = #map}]} {
    %mul3A = arith.constant 2 : i32
    %mul3A_0 = arith.muli %arg1, %mul3A : i32
    %add3A = arith.addi %mul3A_0, %arg0 : i32
    %mul3A_1 = arith.constant 512 : i32
    %mul3A_2 = arith.muli %add3A, %mul3A_1 : i32
    "tpu.region"() ({
      %run_scoped3A = tpu.sem_alloc : memref<!tpu.dma_semaphore, #tpu.memory_space<semaphore_mem>>
      %dma_start3A = tpu.memref_slice %arg3[%mul3A_2] : memref<16384xi32, #tpu.memory_space<hbm>> -> memref<512xi32, #tpu.memory_space<hbm>>
      %dma_start3A_8 = tpu.memref_slice %arg3[%mul3A_2] : memref<16384xi32, #tpu.memory_space<hbm>> -> memref<512xi32, #tpu.memory_space<hbm>>
      tpu.enqueue_dma source(%dma_start3A_8 : memref<512xi32, #tpu.memory_space<hbm>>) target(%arg5 : memref<512xi32, #tpu.memory_space<vmem>>) target_semaphore(%run_scoped3A : memref<!tpu.dma_semaphore, #tpu.memory_space<semaphore_mem>>)
      %dma_wait3A = tpu.memref_slice %arg3[%mul3A_2] : memref<16384xi32, #tpu.memory_space<hbm>> -> memref<512xi32, #tpu.memory_space<hbm>>
      %dma_wait3A_9 = tpu.memref_slice %arg3[%mul3A_2] : memref<16384xi32, #tpu.memory_space<hbm>> -> memref<512xi32, #tpu.memory_space<hbm>>
      tpu.wait_dma2 semaphore(%run_scoped3A : memref<!tpu.dma_semaphore, #tpu.memory_space<semaphore_mem>>) src(%dma_wait3A_9 : memref<512xi32, #tpu.memory_space<hbm>>) dst(%arg5 : memref<512xi32, #tpu.memory_space<vmem>>)
      tpu.yield
    }) : () -> ()
    %scan3A = arith.constant 0 : i32
    %scan3A_3 = arith.constant 0 : i32
    %scan3A_4 = arith.constant 8 : i32
    %scan3A_5 = arith.addi %scan3A_3, %scan3A_4 : i32
    %scan3A_6 = arith.constant 1 : i32
    scf.for %scan3A_8 = %scan3A_3 to %scan3A_5 step %scan3A_6  : i32 {
      %mul3A_9 = arith.constant 2 : i32
      %mul3A_10 = arith.muli %scan3A_8, %mul3A_9 : i32
      %add3A_11 = arith.constant 0 : i32
      %add3A_12 = arith.addi %mul3A_10, %add3A_11 : i32
      %mul3A_13 = arith.constant 32 : i32
      %mul3A_14 = arith.muli %add3A_12, %mul3A_13 : i32
      %dma_start3A = arith.constant 0 : i32
      %dma_start3A_15 = arith.constant 0 : i32
      %dma_start3A_16 = arith.constant 0 : i32
      %dma_start3A_17 = tpu.memref_slice %arg6[%dma_start3A, %dma_start3A_15, %dma_start3A_16] : memref<2x32x1024xf32, #tpu.memory_space<vmem>> -> memref<1x32x1024xf32, #tpu.memory_space<vmem>>
      %dma_start3A_18 = tpu.memref_squeeze %dma_start3A_17 : memref<1x32x1024xf32, #tpu.memory_space<vmem>> -> memref<32x1024xf32, #tpu.memory_space<vmem>>
      %dma_start3A_19 = tpu.memref_slice %arg5[%mul3A_14] : memref<512xi32, #tpu.memory_space<vmem>> -> memref<32xi32, #tpu.memory_space<vmem>>
      %dma_start3A_20 = arith.constant 0 : i32
      %dma_start3A_21 = arith.constant 0 : i32
      %dma_start3A_22 = tpu.memref_slice %arg2[%dma_start3A_20, %dma_start3A_21] : memref<24576x1024xf32, #tpu.memory_space<hbm>> -> memref<24576x1024xf32, #tpu.memory_space<hbm>>
      tpu.enqueue_indirect_dma source(%dma_start3A_22 : memref<24576x1024xf32, #tpu.memory_space<hbm>>) target(%dma_start3A_18 : memref<32x1024xf32, #tpu.memory_space<vmem>>) offsets(%dma_start3A_19 : memref<32xi32, #tpu.memory_space<vmem>>) semaphore(%arg7 : memref<!tpu.dma_semaphore, #tpu.memory_space<semaphore_mem>>)
      %add3A_23 = arith.constant 1 : i32
      %add3A_24 = arith.addi %mul3A_10, %add3A_23 : i32
      %mul3A_25 = arith.constant 32 : i32
      %mul3A_26 = arith.muli %add3A_24, %mul3A_25 : i32
      %dma_start3A_27 = arith.constant 1 : i32
      %dma_start3A_28 = arith.constant 0 : i32
      %dma_start3A_29 = arith.constant 0 : i32
      %dma_start3A_30 = tpu.memref_slice %arg6[%dma_start3A_27, %dma_start3A_28, %dma_start3A_29] : memref<2x32x1024xf32, #tpu.memory_space<vmem>> -> memref<1x32x1024xf32, #tpu.memory_space<vmem>>
      %dma_start3A_31 = tpu.memref_squeeze %dma_start3A_30 : memref<1x32x1024xf32, #tpu.memory_space<vmem>> -> memref<32x1024xf32, #tpu.memory_space<vmem>>
      %dma_start3A_32 = tpu.memref_slice %arg5[%mul3A_26] : memref<512xi32, #tpu.memory_space<vmem>> -> memref<32xi32, #tpu.memory_space<vmem>>
      %dma_start3A_33 = arith.constant 0 : i32
      %dma_start3A_34 = arith.constant 0 : i32
      %dma_start3A_35 = tpu.memref_slice %arg2[%dma_start3A_33, %dma_start3A_34] : memref<24576x1024xf32, #tpu.memory_space<hbm>> -> memref<24576x1024xf32, #tpu.memory_space<hbm>>
      tpu.enqueue_indirect_dma source(%dma_start3A_35 : memref<24576x1024xf32, #tpu.memory_space<hbm>>) target(%dma_start3A_31 : memref<32x1024xf32, #tpu.memory_space<vmem>>) offsets(%dma_start3A_32 : memref<32xi32, #tpu.memory_space<vmem>>) semaphore(%arg8 : memref<!tpu.dma_semaphore, #tpu.memory_space<semaphore_mem>>)
      %add3A_36 = arith.constant 0 : i32
      %add3A_37 = arith.addi %mul3A_10, %add3A_36 : i32
      %mul3A_38 = arith.constant 32 : i32
      %mul3A_39 = arith.muli %add3A_37, %mul3A_38 : i32
      %add3A_40 = arith.addi %mul3A_2, %mul3A_39 : i32
      %dma_wait3A = arith.constant 0 : i32
      %dma_wait3A_41 = arith.constant 0 : i32
      %dma_wait3A_42 = arith.constant 0 : i32
      %dma_wait3A_43 = tpu.memref_slice %arg6[%dma_wait3A, %dma_wait3A_41, %dma_wait3A_42] : memref<2x32x1024xf32, #tpu.memory_space<vmem>> -> memref<1x32x1024xf32, #tpu.memory_space<vmem>>
      %dma_wait3A_44 = tpu.memref_squeeze %dma_wait3A_43 : memref<1x32x1024xf32, #tpu.memory_space<vmem>> -> memref<32x1024xf32, #tpu.memory_space<vmem>>
      %dma_wait3A_45 = tpu.memref_slice %arg5[%mul3A_14] : memref<512xi32, #tpu.memory_space<vmem>> -> memref<32xi32, #tpu.memory_space<vmem>>
      %dma_wait3A_46 = arith.constant 0 : i32
      %dma_wait3A_47 = arith.constant 0 : i32
      %dma_wait3A_48 = tpu.memref_slice %arg2[%dma_wait3A_46, %dma_wait3A_47] : memref<24576x1024xf32, #tpu.memory_space<hbm>> -> memref<24576x1024xf32, #tpu.memory_space<hbm>>
      tpu.wait_indirect_dma semaphore(%arg7 : memref<!tpu.dma_semaphore, #tpu.memory_space<semaphore_mem>>) src(%dma_wait3A_48 : memref<24576x1024xf32, #tpu.memory_space<hbm>>) dst(%dma_wait3A_44 : memref<32x1024xf32, #tpu.memory_space<vmem>>)
      %dma_start3A_49 = arith.constant 0 : i32
      %dma_start3A_50 = arith.constant 0 : i32
      %dma_start3A_51 = arith.constant 0 : i32
      %dma_start3A_52 = tpu.memref_slice %arg6[%dma_start3A_49, %dma_start3A_50, %dma_start3A_51] : memref<2x32x1024xf32, #tpu.memory_space<vmem>> -> memref<1x32x1024xf32, #tpu.memory_space<vmem>>
      %dma_start3A_53 = tpu.memref_squeeze %dma_start3A_52 : memref<1x32x1024xf32, #tpu.memory_space<vmem>> -> memref<32x1024xf32, #tpu.memory_space<vmem>>
      %dma_start3A_54 = arith.constant 0 : i32
      %dma_start3A_55 = tpu.memref_slice %arg4[%add3A_40, %dma_start3A_54] : memref<16384x1024xf32, #tpu.memory_space<hbm>> -> memref<32x1024xf32, #tpu.memory_space<hbm>>
      %dma_start3A_56 = arith.constant 0 : i32
      %dma_start3A_57 = tpu.memref_slice %arg4[%add3A_40, %dma_start3A_56] : memref<16384x1024xf32, #tpu.memory_space<hbm>> -> memref<32x1024xf32, #tpu.memory_space<hbm>>
      %dma_start3A_58 = arith.constant 0 : i32
      %dma_start3A_59 = arith.constant 0 : i32
      %dma_start3A_60 = tpu.memref_slice %arg6[%dma_start3A_49, %dma_start3A_58, %dma_start3A_59] : memref<2x32x1024xf32, #tpu.memory_space<vmem>> -> memref<1x32x1024xf32, #tpu.memory_space<vmem>>
      %dma_start3A_61 = tpu.memref_squeeze %dma_start3A_60 : memref<1x32x1024xf32, #tpu.memory_space<vmem>> -> memref<32x1024xf32, #tpu.memory_space<vmem>>
      tpu.enqueue_dma source(%dma_start3A_61 : memref<32x1024xf32, #tpu.memory_space<vmem>>) target(%dma_start3A_57 : memref<32x1024xf32, #tpu.memory_space<hbm>>) target_semaphore(%arg9 : memref<!tpu.dma_semaphore, #tpu.memory_space<semaphore_mem>>)
      %add3A_62 = arith.constant 1 : i32
      %add3A_63 = arith.addi %mul3A_10, %add3A_62 : i32
      %mul3A_64 = arith.constant 32 : i32
      %mul3A_65 = arith.muli %add3A_63, %mul3A_64 : i32
      %add3A_66 = arith.addi %mul3A_2, %mul3A_65 : i32
      %dma_wait3A_67 = arith.constant 1 : i32
      %dma_wait3A_68 = arith.constant 0 : i32
      %dma_wait3A_69 = arith.constant 0 : i32
      %dma_wait3A_70 = tpu.memref_slice %arg6[%dma_wait3A_67, %dma_wait3A_68, %dma_wait3A_69] : memref<2x32x1024xf32, #tpu.memory_space<vmem>> -> memref<1x32x1024xf32, #tpu.memory_space<vmem>>
      %dma_wait3A_71 = tpu.memref_squeeze %dma_wait3A_70 : memref<1x32x1024xf32, #tpu.memory_space<vmem>> -> memref<32x1024xf32, #tpu.memory_space<vmem>>
      %dma_wait3A_72 = tpu.memref_slice %arg5[%mul3A_26] : memref<512xi32, #tpu.memory_space<vmem>> -> memref<32xi32, #tpu.memory_space<vmem>>
      %dma_wait3A_73 = arith.constant 0 : i32
      %dma_wait3A_74 = arith.constant 0 : i32
      %dma_wait3A_75 = tpu.memref_slice %arg2[%dma_wait3A_73, %dma_wait3A_74] : memref<24576x1024xf32, #tpu.memory_space<hbm>> -> memref<24576x1024xf32, #tpu.memory_space<hbm>>
      tpu.wait_indirect_dma semaphore(%arg8 : memref<!tpu.dma_semaphore, #tpu.memory_space<semaphore_mem>>) src(%dma_wait3A_75 : memref<24576x1024xf32, #tpu.memory_space<hbm>>) dst(%dma_wait3A_71 : memref<32x1024xf32, #tpu.memory_space<vmem>>)
      %dma_start3A_76 = arith.constant 1 : i32
      %dma_start3A_77 = arith.constant 0 : i32
      %dma_start3A_78 = arith.constant 0 : i32
      %dma_start3A_79 = tpu.memref_slice %arg6[%dma_start3A_76, %dma_start3A_77, %dma_start3A_78] : memref<2x32x1024xf32, #tpu.memory_space<vmem>> -> memref<1x32x1024xf32, #tpu.memory_space<vmem>>
      %dma_start3A_80 = tpu.memref_squeeze %dma_start3A_79 : memref<1x32x1024xf32, #tpu.memory_space<vmem>> -> memref<32x1024xf32, #tpu.memory_space<vmem>>
      %dma_start3A_81 = arith.constant 0 : i32
      %dma_start3A_82 = tpu.memref_slice %arg4[%add3A_66, %dma_start3A_81] : memref<16384x1024xf32, #tpu.memory_space<hbm>> -> memref<32x1024xf32, #tpu.memory_space<hbm>>
      %dma_start3A_83 = arith.constant 0 : i32
      %dma_start3A_84 = tpu.memref_slice %arg4[%add3A_66, %dma_start3A_83] : memref<16384x1024xf32, #tpu.memory_space<hbm>> -> memref<32x1024xf32, #tpu.memory_space<hbm>>
      %dma_start3A_85 = arith.constant 0 : i32
      %dma_start3A_86 = arith.constant 0 : i32
      %dma_start3A_87 = tpu.memref_slice %arg6[%dma_start3A_76, %dma_start3A_85, %dma_start3A_86] : memref<2x32x1024xf32, #tpu.memory_space<vmem>> -> memref<1x32x1024xf32, #tpu.memory_space<vmem>>
      %dma_start3A_88 = tpu.memref_squeeze %dma_start3A_87 : memref<1x32x1024xf32, #tpu.memory_space<vmem>> -> memref<32x1024xf32, #tpu.memory_space<vmem>>
      tpu.enqueue_dma source(%dma_start3A_88 : memref<32x1024xf32, #tpu.memory_space<vmem>>) target(%dma_start3A_84 : memref<32x1024xf32, #tpu.memory_space<hbm>>) target_semaphore(%arg10 : memref<!tpu.dma_semaphore, #tpu.memory_space<semaphore_mem>>)
      %dma_wait3A_89 = arith.constant 0 : i32
      %dma_wait3A_90 = arith.constant 0 : i32
      %dma_wait3A_91 = arith.constant 0 : i32
      %dma_wait3A_92 = tpu.memref_slice %arg6[%dma_wait3A_89, %dma_wait3A_90, %dma_wait3A_91] : memref<2x32x1024xf32, #tpu.memory_space<vmem>> -> memref<1x32x1024xf32, #tpu.memory_space<vmem>>
      %dma_wait3A_93 = tpu.memref_squeeze %dma_wait3A_92 : memref<1x32x1024xf32, #tpu.memory_space<vmem>> -> memref<32x1024xf32, #tpu.memory_space<vmem>>
      %dma_wait3A_94 = arith.constant 0 : i32
      %dma_wait3A_95 = tpu.memref_slice %arg4[%add3A_40, %dma_wait3A_94] : memref<16384x1024xf32, #tpu.memory_space<hbm>> -> memref<32x1024xf32, #tpu.memory_space<hbm>>
      %dma_wait3A_96 = arith.constant 0 : i32
      %dma_wait3A_97 = tpu.memref_slice %arg4[%add3A_40, %dma_wait3A_96] : memref<16384x1024xf32, #tpu.memory_space<hbm>> -> memref<32x1024xf32, #tpu.memory_space<hbm>>
      %dma_wait3A_98 = arith.constant 0 : i32
      %dma_wait3A_99 = arith.constant 0 : i32
      %dma_wait3A_100 = tpu.memref_slice %arg6[%dma_wait3A_89, %dma_wait3A_98, %dma_wait3A_99] : memref<2x32x1024xf32, #tpu.memory_space<vmem>> -> memref<1x32x1024xf32, #tpu.memory_space<vmem>>
      %dma_wait3A_101 = tpu.memref_squeeze %dma_wait3A_100 : memref<1x32x1024xf32, #tpu.memory_space<vmem>> -> memref<32x1024xf32, #tpu.memory_space<vmem>>
      tpu.wait_dma2 semaphore(%arg9 : memref<!tpu.dma_semaphore, #tpu.memory_space<semaphore_mem>>) src(%dma_wait3A_101 : memref<32x1024xf32, #tpu.memory_space<vmem>>) dst(%dma_wait3A_97 : memref<32x1024xf32, #tpu.memory_space<hbm>>)
      %dma_wait3A_102 = arith.constant 1 : i32
      %dma_wait3A_103 = arith.constant 0 : i32
      %dma_wait3A_104 = arith.constant 0 : i32
      %dma_wait3A_105 = tpu.memref_slice %arg6[%dma_wait3A_102, %dma_wait3A_103, %dma_wait3A_104] : memref<2x32x1024xf32, #tpu.memory_space<vmem>> -> memref<1x32x1024xf32, #tpu.memory_space<vmem>>
      %dma_wait3A_106 = tpu.memref_squeeze %dma_wait3A_105 : memref<1x32x1024xf32, #tpu.memory_space<vmem>> -> memref<32x1024xf32, #tpu.memory_space<vmem>>
      %dma_wait3A_107 = arith.constant 0 : i32
      %dma_wait3A_108 = tpu.memref_slice %arg4[%add3A_66, %dma_wait3A_107] : memref<16384x1024xf32, #tpu.memory_space<hbm>> -> memref<32x1024xf32, #tpu.memory_space<hbm>>
      %dma_wait3A_109 = arith.constant 0 : i32
      %dma_wait3A_110 = tpu.memref_slice %arg4[%add3A_66, %dma_wait3A_109] : memref<16384x1024xf32, #tpu.memory_space<hbm>> -> memref<32x1024xf32, #tpu.memory_space<hbm>>
      %dma_wait3A_111 = arith.constant 0 : i32
      %dma_wait3A_112 = arith.constant 0 : i32
      %dma_wait3A_113 = tpu.memref_slice %arg6[%dma_wait3A_102, %dma_wait3A_111, %dma_wait3A_112] : memref<2x32x1024xf32, #tpu.memory_space<vmem>> -> memref<1x32x1024xf32, #tpu.memory_space<vmem>>
      %dma_wait3A_114 = tpu.memref_squeeze %dma_wait3A_113 : memref<1x32x1024xf32, #tpu.memory_space<vmem>> -> memref<32x1024xf32, #tpu.memory_space<vmem>>
      tpu.wait_dma2 semaphore(%arg10 : memref<!tpu.dma_semaphore, #tpu.memory_space<semaphore_mem>>) src(%dma_wait3A_114 : memref<32x1024xf32, #tpu.memory_space<vmem>>) dst(%dma_wait3A_110 : memref<32x1024xf32, #tpu.memory_space<hbm>>)
    }
    %scan3A_7 = arith.constant 8 : i32
    return
  }
}

#map = affine_map<(d0, d1) -> (0)>
module attributes {stable_mosaic.version = 14 : i64} {
  func.func @invert_k(%arg0: i32, %arg1: i32, %arg2: memref<16384xi32, #tpu.memory_space<hbm>>, %arg3: memref<16384xi32, #tpu.memory_space<hbm>>, %arg4: memref<24576xi32, #tpu.memory_space<hbm>>, %arg5: memref<24576xi32, #tpu.memory_space<hbm>>, %arg6: memref<24576xi32, #tpu.memory_space<vmem>>, %arg7: memref<24576xi32, #tpu.memory_space<vmem>>, %arg8: memref<16384xi32, #tpu.memory_space<vmem>>, %arg9: memref<16384xi32, #tpu.memory_space<vmem>>) attributes {dimension_semantics = [#tpu.dimension_semantics<core_parallel>, #tpu.dimension_semantics<subcore_parallel>], iteration_bounds = array<i64: 2, 16>, scalar_prefetch = 0 : i64, scratch_operands = 4 : i64, tpu.core_type = #tpu.core_type<sc_vector_subcore>, window_params = [{transform_indices = #map}, {transform_indices = #map}, {transform_indices = #map}, {transform_indices = #map}]} {
    %mul3A = arith.constant 2 : i32
    %mul3A_0 = arith.muli %arg1, %mul3A : i32
    %add3A = arith.addi %mul3A_0, %arg0 : i32
    %eq3A = arith.constant 0 : i32
    %eq3A_1 = arith.cmpi eq, %add3A, %eq3A : i32
    %convert_element_type3A = arith.extui %eq3A_1 : i1 to i32
    %cond3A = arith.constant 0 : i32
    %cond3A_2 = arith.cmpi ne, %convert_element_type3A, %cond3A : i32
    scf.if %cond3A_2 {
      "tpu.region"() ({
        %run_scoped3A = tpu.sem_alloc : memref<!tpu.dma_semaphore, #tpu.memory_space<semaphore_mem>>
        tpu.enqueue_dma source(%arg2 : memref<16384xi32, #tpu.memory_space<hbm>>) target(%arg8 : memref<16384xi32, #tpu.memory_space<vmem>>) target_semaphore(%run_scoped3A : memref<!tpu.dma_semaphore, #tpu.memory_space<semaphore_mem>>)
        tpu.wait_dma2 semaphore(%run_scoped3A : memref<!tpu.dma_semaphore, #tpu.memory_space<semaphore_mem>>) src(%arg2 : memref<16384xi32, #tpu.memory_space<hbm>>) dst(%arg8 : memref<16384xi32, #tpu.memory_space<vmem>>)
        tpu.yield
      }) : () -> ()
      "tpu.region"() ({
        %run_scoped3A = tpu.sem_alloc : memref<!tpu.dma_semaphore, #tpu.memory_space<semaphore_mem>>
        tpu.enqueue_dma source(%arg3 : memref<16384xi32, #tpu.memory_space<hbm>>) target(%arg9 : memref<16384xi32, #tpu.memory_space<vmem>>) target_semaphore(%run_scoped3A : memref<!tpu.dma_semaphore, #tpu.memory_space<semaphore_mem>>)
        tpu.wait_dma2 semaphore(%run_scoped3A : memref<!tpu.dma_semaphore, #tpu.memory_space<semaphore_mem>>) src(%arg3 : memref<16384xi32, #tpu.memory_space<hbm>>) dst(%arg9 : memref<16384xi32, #tpu.memory_space<vmem>>)
        tpu.yield
      }) : () -> ()
      %broadcast_in_dim3A = arith.constant 0 : i32
      %broadcast_in_dim3A_3 = vector.broadcast %broadcast_in_dim3A : i32 to vector<16xi32>
      %iota3A = tpu.iota {dimensions = array<i32: 0>} : vector<16xi32>
      %scan3A = arith.constant 0 : i32
      %scan3A_4 = arith.constant 0 : i32
      %scan3A_5 = arith.constant 1536 : i32
      %scan3A_6 = arith.addi %scan3A_4, %scan3A_5 : i32
      %scan3A_7 = arith.constant 1 : i32
      scf.for %scan3A_16 = %scan3A_4 to %scan3A_6 step %scan3A_7  : i32 {
        %mul3A_17 = arith.constant 16 : i32
        %mul3A_18 = arith.muli %scan3A_16, %mul3A_17 : i32
        %add3A_19 = vector.broadcast %mul3A_18 : i32 to vector<16xi32>
        %add3A_20 = arith.addi %iota3A, %add3A_19 : vector<16xi32>
        %ge3A = arith.constant 16384 : i32
        %ge3A_21 = vector.broadcast %ge3A : i32 to vector<16xi32>
        %ge3A_22 = arith.cmpi sge, %add3A_20, %ge3A_21 : vector<16xi32>
        %sub3A = arith.constant 16384 : i32
        %sub3A_23 = vector.broadcast %sub3A : i32 to vector<16xi32>
        %sub3A_24 = arith.subi %add3A_20, %sub3A_23 : vector<16xi32>
        %select_n3A = arith.select %ge3A_22, %sub3A_24, %add3A_20 : vector<16xi1>, vector<16xi32>
        %mul3A_25 = arith.constant 16 : i32
        %mul3A_26 = arith.muli %scan3A_16, %mul3A_25 : i32
        %swap3A = arith.index_cast %mul3A_26 : i32 to index
        %swap3A_27 = tpu.vector_load %arg6[%swap3A] {strides = array<i32>} : memref<24576xi32, #tpu.memory_space<vmem>>, vector<16xi32>,
        tpu.vector_store %arg6[%swap3A], %select_n3A {strides = array<i32>} : memref<24576xi32, #tpu.memory_space<vmem>>, vector<16xi32>,
        %mul3A_28 = arith.constant 16 : i32
        %mul3A_29 = arith.muli %scan3A_16, %mul3A_28 : i32
        %swap3A_30 = arith.index_cast %mul3A_29 : i32 to index
        %swap3A_31 = tpu.vector_load %arg7[%swap3A_30] {strides = array<i32>} : memref<24576xi32, #tpu.memory_space<vmem>>, vector<16xi32>,
        tpu.vector_store %arg7[%swap3A_30], %broadcast_in_dim3A_3 {strides = array<i32>} : memref<24576xi32, #tpu.memory_space<vmem>>, vector<16xi32>,
      }
      %scan3A_8 = arith.constant 1536 : i32
      %iota3A_9 = tpu.iota {dimensions = array<i32: 0>} : vector<16xi32>
      %scan3A_10 = arith.constant 0 : i32
      %scan3A_11 = arith.constant 0 : i32
      %scan3A_12 = arith.constant 1024 : i32
      %scan3A_13 = arith.addi %scan3A_11, %scan3A_12 : i32
      %scan3A_14 = arith.constant 1 : i32
      scf.for %scan3A_16 = %scan3A_11 to %scan3A_13 step %scan3A_14  : i32 {
        %mul3A_17 = arith.constant 16 : i32
        %mul3A_18 = arith.muli %scan3A_16, %mul3A_17 : i32
        %get3A = arith.index_cast %mul3A_18 : i32 to index
        %get3A_19 = tpu.vector_load %arg8[%get3A] {strides = array<i32>} : memref<16384xi32, #tpu.memory_space<vmem>>, vector<16xi32>,
        %mul3A_20 = arith.constant 16 : i32
        %mul3A_21 = arith.muli %scan3A_16, %mul3A_20 : i32
        %add3A_22 = vector.broadcast %mul3A_21 : i32 to vector<16xi32>
        %add3A_23 = arith.addi %iota3A_9, %add3A_22 : vector<16xi32>
        tpu.vector_store_idx %arg6[%get3A_19], %add3A_23 : memref<24576xi32, #tpu.memory_space<vmem>>[vector<16xi32>], vector<16xi32>,
        %mul3A_24 = arith.constant 16 : i32
        %mul3A_25 = arith.muli %scan3A_16, %mul3A_24 : i32
        %get3A_26 = arith.index_cast %mul3A_25 : i32 to index
        %get3A_27 = tpu.vector_load %arg9[%get3A_26] {strides = array<i32>} : memref<16384xi32, #tpu.memory_space<vmem>>, vector<16xi32>,
        tpu.vector_store_idx %arg7[%get3A_19], %get3A_27 : memref<24576xi32, #tpu.memory_space<vmem>>[vector<16xi32>], vector<16xi32>,
      }
      %scan3A_15 = arith.constant 1024 : i32
      "tpu.region"() ({
        %run_scoped3A = tpu.sem_alloc : memref<!tpu.dma_semaphore, #tpu.memory_space<semaphore_mem>>
        tpu.enqueue_dma source(%arg6 : memref<24576xi32, #tpu.memory_space<vmem>>) target(%arg4 : memref<24576xi32, #tpu.memory_space<hbm>>) target_semaphore(%run_scoped3A : memref<!tpu.dma_semaphore, #tpu.memory_space<semaphore_mem>>)
        tpu.wait_dma2 semaphore(%run_scoped3A : memref<!tpu.dma_semaphore, #tpu.memory_space<semaphore_mem>>) src(%arg6 : memref<24576xi32, #tpu.memory_space<vmem>>) dst(%arg4 : memref<24576xi32, #tpu.memory_space<hbm>>)
        tpu.yield
      }) : () -> ()
      "tpu.region"() ({
        %run_scoped3A = tpu.sem_alloc : memref<!tpu.dma_semaphore, #tpu.memory_space<semaphore_mem>>
        tpu.enqueue_dma source(%arg7 : memref<24576xi32, #tpu.memory_space<vmem>>) target(%arg5 : memref<24576xi32, #tpu.memory_space<hbm>>) target_semaphore(%run_scoped3A : memref<!tpu.dma_semaphore, #tpu.memory_space<semaphore_mem>>)
        tpu.wait_dma2 semaphore(%run_scoped3A : memref<!tpu.dma_semaphore, #tpu.memory_space<semaphore_mem>>) src(%arg7 : memref<24576xi32, #tpu.memory_space<vmem>>) dst(%arg5 : memref<24576xi32, #tpu.memory_space<hbm>>)
        tpu.yield
      }) : () -> ()
    } else {
    }
    return
  }
}

module attributes {stable_mosaic.version = 14 : i64} {
  func.func @_mm_body(%arg0: i32, %arg1: memref<192xi32, #tpu.memory_space<smem>>, %arg2: memref<192xi32, #tpu.memory_space<smem>>, %arg3: memref<192xi32, #tpu.memory_space<smem>>, %arg4: memref<128x1024xf32, #tpu.memory_space<vmem>>, %arg5: memref<8x1024x1024xbf16, #tpu.memory_space<vmem>>, %arg6: memref<8x1024xf32, #tpu.memory_space<vmem>>, %arg7: memref<128x1xi32, #tpu.memory_space<vmem>>, %arg8: memref<128x2xf32, #tpu.memory_space<vmem>>, %arg9: memref<128x1024xf32, #tpu.memory_space<vmem>>) attributes {dimension_semantics = [#tpu.dimension_semantics<arbitrary>], iteration_bounds = array<i64: 192>, scalar_prefetch = 3 : i64, scratch_operands = 0 : i64, tpu.core_type = #tpu.core_type<tc>, window_params = [{transform_indices = @transform_0, window_bounds = array<i64: 128, 1024>}, {pipeline_mode = #tpu.pipeline_mode<synchronous>, transform_indices = @transform_1, window_bounds = array<i64: 8, 1024, 1024>}, {pipeline_mode = #tpu.pipeline_mode<synchronous>, transform_indices = @transform_2, window_bounds = array<i64: 8, 1024>}, {transform_indices = @transform_3, window_bounds = array<i64: 128, 1>}, {pipeline_mode = #tpu.pipeline_mode<synchronous>, transform_indices = @transform_4, window_bounds = array<i64: 128, 2>}, {transform_indices = @transform_5, window_bounds = array<i64: 128, 1024>}]} {
    %get3A = arith.index_cast %arg0 : i32 to index
    %get3A_0 = memref.load %arg3[%get3A] : memref<192xi32, #tpu.memory_space<smem>>
    %eq3A = arith.constant 1 : i32
    %eq3A_1 = arith.cmpi eq, %get3A_0, %eq3A : i32
    %convert_element_type3A = arith.extui %eq3A_1 : i1 to i32
    %cond3A = arith.constant 0 : i32
    %cond3A_2 = arith.cmpi ne, %convert_element_type3A, %cond3A : i32
    scf.if %cond3A_2 {
      %get3A_3 = arith.index_cast %arg0 : i32 to index
      %get3A_4 = memref.load %arg1[%get3A_3] : memref<192xi32, #tpu.memory_space<smem>>
      %get3A_5 = arith.index_cast %arg0 : i32 to index
      %get3A_6 = memref.load %arg2[%get3A_5] : memref<192xi32, #tpu.memory_space<smem>>
      %get3A_7 = arith.constant 0 : index
      %get3A_8 = arith.constant 0 : index
      %get3A_9 = vector.load %arg4[%get3A_7, %get3A_8] : memref<128x1024xf32, #tpu.memory_space<vmem>>, vector<128x1024xf32>
      %convert_element_type3A_10 = arith.truncf %get3A_9 : vector<128x1024xf32> to vector<128x1024xbf16>
      %iota3A = tpu.iota {dimensions = array<i32: 1>} : vector<128x128xi32>
      %get3A_11 = arith.constant 0 : index
      %get3A_12 = arith.constant 0 : index
      %get3A_13 = vector.load %arg7[%get3A_11, %get3A_12] : memref<128x1xi32, #tpu.memory_space<vmem>>, vector<128x1xi32>
      %eq3A_14 = vector.broadcast %get3A_13 : vector<128x1xi32> to vector<128x128xi32>
      %eq3A_15 = arith.cmpi eq, %eq3A_14, %iota3A : vector<128x128xi32>
      %convert_element_type3A_16 = arith.extui %eq3A_15 : vector<128x128xi1> to vector<128x128xi32>
      %convert_element_type3A_17 = arith.sitofp %convert_element_type3A_16 : vector<128x128xi32> to vector<128x128xf32>
      %get3A_18 = arith.constant 0 : index
      %get3A_19 = arith.constant 0 : index
      %get3A_20 = vector.load %arg8[%get3A_18, %get3A_19] : memref<128x2xf32, #tpu.memory_space<vmem>>, vector<128x1xf32>
      %get3A_21 = vector.shape_cast %get3A_20 : vector<128x1xf32> to vector<128xf32>
      %broadcast_in_dim3A = vector.shape_cast %get3A_21 : vector<128xf32> to vector<1x128xf32>
      %mul3A = vector.broadcast %broadcast_in_dim3A : vector<1x128xf32> to vector<128x128xf32>
      %mul3A_22 = arith.mulf %convert_element_type3A_17, %mul3A : vector<128x128xf32>
      %reduce_sum3A = arith.constant dense<0.000000e+00> : vector<128xf32>
      %reduce_sum3A_23 = vector.multi_reduction <add>, %mul3A_22, %reduce_sum3A [1] : vector<128x128xf32> to vector<128xf32>
      %broadcast_in_dim3A_24 = vector.shape_cast %reduce_sum3A_23 : vector<128xf32> to vector<128x1xf32>
      %get3A_25 = arith.constant 0 : index
      %get3A_26 = arith.constant 1 : index
      %get3A_27 = vector.load %arg8[%get3A_25, %get3A_26] : memref<128x2xf32, #tpu.memory_space<vmem>>, vector<128x1xf32>
      %get3A_28 = vector.shape_cast %get3A_27 : vector<128x1xf32> to vector<128xf32>
      %broadcast_in_dim3A_29 = vector.shape_cast %get3A_28 : vector<128xf32> to vector<1x128xf32>
      %mul3A_30 = vector.broadcast %broadcast_in_dim3A_29 : vector<1x128xf32> to vector<128x128xf32>
      %mul3A_31 = arith.mulf %convert_element_type3A_17, %mul3A_30 : vector<128x128xf32>
      %reduce_sum3A_32 = arith.constant dense<0.000000e+00> : vector<128xf32>
      %reduce_sum3A_33 = vector.multi_reduction <add>, %mul3A_31, %reduce_sum3A_32 [1] : vector<128x128xf32> to vector<128xf32>
      %broadcast_in_dim3A_34 = vector.shape_cast %reduce_sum3A_33 : vector<128xf32> to vector<128x1xf32>
      %get3A_35 = arith.index_cast %get3A_4 : i32 to index
      %get3A_36 = arith.constant 0 : index
      %get3A_37 = arith.constant 0 : index
      %get3A_38 = vector.load %arg5[%get3A_35, %get3A_36, %get3A_37] : memref<8x1024x1024xbf16, #tpu.memory_space<vmem>>, vector<1x1024x1024xbf16>
      %get3A_39 = vector.shape_cast %get3A_38 : vector<1x1024x1024xbf16> to vector<1024x1024xbf16>
      %dot_general3A = arith.constant dense<0.000000e+00> : vector<128x1024xf32>
      %dot_general3A_40 = tpu.matmul %convert_element_type3A_10, %get3A_39, %dot_general3A {dimension_numbers = #tpu.dot_dimension_numbers<[1], [0], [0], [1], [0, 0, 1, 1], [], []>, transpose_lhs_hint = false} : vector<128x1024xbf16>, vector<1024x1024xbf16>, vector<128x1024xf32> -> vector<128x1024xf32>
      %get3A_41 = arith.index_cast %get3A_4 : i32 to index
      %get3A_42 = arith.constant 0 : index
      %get3A_43 = vector.load %arg6[%get3A_41, %get3A_42] : memref<8x1024xf32, #tpu.memory_space<vmem>>, vector<1x1024xf32>
      %get3A_44 = vector.shape_cast %get3A_43 : vector<1x1024xf32> to vector<1024xf32>
      %broadcast_in_dim3A_45 = vector.shape_cast %get3A_44 : vector<1024xf32> to vector<1x1024xf32>
      %add3A = vector.broadcast %broadcast_in_dim3A_45 : vector<1x1024xf32> to vector<128x1024xf32>
      %add3A_46 = arith.addf %dot_general3A_40, %add3A : vector<128x1024xf32>
      %tanh3A = math.tanh %add3A_46 : vector<128x1024xf32>
      %get3A_47 = arith.index_cast %get3A_6 : i32 to index
      %get3A_48 = arith.constant 0 : index
      %get3A_49 = arith.constant 0 : index
      %get3A_50 = vector.load %arg5[%get3A_47, %get3A_48, %get3A_49] : memref<8x1024x1024xbf16, #tpu.memory_space<vmem>>, vector<1x1024x1024xbf16>
      %get3A_51 = vector.shape_cast %get3A_50 : vector<1x1024x1024xbf16> to vector<1024x1024xbf16>
      %dot_general3A_52 = arith.constant dense<0.000000e+00> : vector<128x1024xf32>
      %dot_general3A_53 = tpu.matmul %convert_element_type3A_10, %get3A_51, %dot_general3A_52 {dimension_numbers = #tpu.dot_dimension_numbers<[1], [0], [0], [1], [0, 0, 1, 1], [], []>, transpose_lhs_hint = false} : vector<128x1024xbf16>, vector<1024x1024xbf16>, vector<128x1024xf32> -> vector<128x1024xf32>
      %get3A_54 = arith.index_cast %get3A_6 : i32 to index
      %get3A_55 = arith.constant 0 : index
      %get3A_56 = vector.load %arg6[%get3A_54, %get3A_55] : memref<8x1024xf32, #tpu.memory_space<vmem>>, vector<1x1024xf32>
      %get3A_57 = vector.shape_cast %get3A_56 : vector<1x1024xf32> to vector<1024xf32>
      %broadcast_in_dim3A_58 = vector.shape_cast %get3A_57 : vector<1024xf32> to vector<1x1024xf32>
      %add3A_59 = vector.broadcast %broadcast_in_dim3A_58 : vector<1x1024xf32> to vector<128x1024xf32>
      %add3A_60 = arith.addf %dot_general3A_53, %add3A_59 : vector<128x1024xf32>
      %tanh3A_61 = math.tanh %add3A_60 : vector<128x1024xf32>
      %mul3A_62 = vector.broadcast %broadcast_in_dim3A_24 : vector<128x1xf32> to vector<128x1024xf32>
      %mul3A_63 = arith.mulf %mul3A_62, %tanh3A : vector<128x1024xf32>
      %mul3A_64 = vector.broadcast %broadcast_in_dim3A_34 : vector<128x1xf32> to vector<128x1024xf32>
      %mul3A_65 = arith.mulf %mul3A_64, %tanh3A_61 : vector<128x1024xf32>
      %add3A_66 = arith.addf %mul3A_63, %mul3A_65 : vector<128x1024xf32>
      %swap3A = arith.constant 0 : index
      %swap3A_67 = arith.constant 0 : index
      %swap3A_68 = vector.load %arg9[%swap3A, %swap3A_67] : memref<128x1024xf32, #tpu.memory_space<vmem>>, vector<128x1024xf32>
      tpu.vector_store %arg9[%swap3A, %swap3A_67], %add3A_66 {strides = array<i32>} : memref<128x1024xf32, #tpu.memory_space<vmem>>, vector<128x1024xf32>,
    } else {
    }
    return
  }
  func.func @transform_0(%arg0: i32, %arg1: memref<192xi32, #tpu.memory_space<smem>>, %arg2: memref<192xi32, #tpu.memory_space<smem>>, %arg3: memref<192xi32, #tpu.memory_space<smem>>) -> (i32, i32) {
    %c0_i32 = arith.constant 0 : i32
    %c0_i32_0 = arith.constant 0 : i32
    return %arg0, %c0_i32 : i32, i32
  }
  func.func @transform_1(%arg0: i32, %arg1: memref<192xi32, #tpu.memory_space<smem>>, %arg2: memref<192xi32, #tpu.memory_space<smem>>, %arg3: memref<192xi32, #tpu.memory_space<smem>>) -> (i32, i32, i32) {
    %c0_i32 = arith.constant 0 : i32
    %c0_i32_0 = arith.constant 0 : i32
    %c0_i32_1 = arith.constant 0 : i32
    %c0_i32_2 = arith.constant 0 : i32
    return %c0_i32, %c0_i32_0, %c0_i32_1 : i32, i32, i32
  }
  func.func @transform_2(%arg0: i32, %arg1: memref<192xi32, #tpu.memory_space<smem>>, %arg2: memref<192xi32, #tpu.memory_space<smem>>, %arg3: memref<192xi32, #tpu.memory_space<smem>>) -> (i32, i32) {
    %c0_i32 = arith.constant 0 : i32
    %c0_i32_0 = arith.constant 0 : i32
    %c0_i32_1 = arith.constant 0 : i32
    return %c0_i32, %c0_i32_0 : i32, i32
  }
  func.func @transform_3(%arg0: i32, %arg1: memref<192xi32, #tpu.memory_space<smem>>, %arg2: memref<192xi32, #tpu.memory_space<smem>>, %arg3: memref<192xi32, #tpu.memory_space<smem>>) -> (i32, i32) {
    %c0_i32 = arith.constant 0 : i32
    %c0_i32_0 = arith.constant 0 : i32
    return %arg0, %c0_i32 : i32, i32
  }
  func.func @transform_4(%arg0: i32, %arg1: memref<192xi32, #tpu.memory_space<smem>>, %arg2: memref<192xi32, #tpu.memory_space<smem>>, %arg3: memref<192xi32, #tpu.memory_space<smem>>) -> (i32, i32) {
    %c0_i32 = arith.constant 0 : i32
    %c0_i32_0 = arith.constant 0 : i32
    %c0_i32_1 = arith.constant 0 : i32
    return %c0_i32, %c0_i32_0 : i32, i32
  }
  func.func @transform_5(%arg0: i32, %arg1: memref<192xi32, #tpu.memory_space<smem>>, %arg2: memref<192xi32, #tpu.memory_space<smem>>, %arg3: memref<192xi32, #tpu.memory_space<smem>>) -> (i32, i32) {
    %c0_i32 = arith.constant 0 : i32
    %c0_i32_0 = arith.constant 0 : i32
    return %arg0, %c0_i32 : i32, i32
  }
}

</mosaic_0001>

<sc_bundles>
// kernel: kernel.12.cloned.1.call-start
scs
__scs_entry_jumppad:
0x0: {  	(pc) =	sbr.rel $0x88, $3  }
0x1: {  	(tag) =	ssettag $0x0;
	lr =	simm.s32 $0x1  }
0x2: {  	[smem:$0x3F9B] =	sst lr;
	_ =	strace $0xD0000000  }
0x3: {  	_ = 	snop  }
0x4: {  	_ = 	snop  }
0x5: {  	_ = 	snop  }
0x6: {  	_ = 	snop  }
0x7: {  	_ = 	snop  }
__scs_overlays_trampoline_lowered:
0x8: {  	[smem:$0x3FAA] =	sst s0  }
0x9: {  	[smem:$0x3FAB] =	sst s1  }
0xa: {  	[smem:$0x3FAC] =	sst s2  }
0xb: {  	[smem:$0x3FAD] =	sst s3  }
0xc: {  	[smem:$0x3FAE] =	sst s4  }
0xd: {  	[smem:$0x3FAF] =	sst s5  }
0xe: {  	[smem:$0x3FB0] =	sst s6  }
0xf: {  	[smem:$0x3FB1] =	sst s7  }
0x10: {  	[smem:$0x3FB2] =	sst s8  }
0x11: {  	[smem:$0x3FB3] =	sst s9;
	s0 =	simm.s32 @!p0 $0x0  }
0x12: {  	s1 =	sld [smem:$0x3F99];
	s0 =	simm.s32 @p0 $0x1  }
0x13: {  	[smem:$0x3FB4] =	sst s0;
	s0 =	simm.s32 @!p1 $0x0  }
0x14: {  	s2 =	sld [smem:$0x3F98];
	s0 =	simm.s32 @p1 $0x1  }
0x15: {  	[smem:$0x3FB5] =	sst s0;
	s0 =	simm.s32 @!p2 $0x0  }
0x16: {  	s3 =	sld [smem:$0x3FDB];
	s0 =	simm.s32 @p2 $0x1  }
0x17: {  	s4 =	simm.s32 $0x1BF5;
	[smem:$0x3FB7] =	sst s0  }
0x18: {  	s0 =	sld [smem:$0x3F9A];
	_ =	swait.ge [sflag:s4], $0x0  }
0x19: {  	s7 =	sld [smem:$0x3F9B]  }
0x1a: {  	s8 =	sadd.s32 $0xFFFFE003, lr  }
0x1b: {  	s9 =	sadd.s32 $0xFFFFFEF7, lr;
	s5 =	simm.s32 $0xFFFFFFFF;
	p2 =	slt.u32 s8, $0xFFFFF086  }
0x1c: {  	p1 =	slt.u32 s9, $0xF7A;
	s5 =	simm.s32 @!p2 $0x0  }
0x1d: {  	s5 =	simm.s32 @p1 $0x1;
	p0 =	seq.s32 s7, s2  }
0x1e: {  	s7 =	smul.u32 @!p0 $0xF7A, s2;
	p2 =	seq.s32 @!p0 s5, $0x0  }
0x1f: {  	s9 =	smul.u32 $0xF7A, s1;
	s8 =	simm.s32 @!p0 $0x1BF5;
	p2 =	por !p2, p0  }
0x20: {  	[sflag:s8] =	ssyncset.s32 @!p0 $0xFFFFF086;
	s6 =	sadd.s32 @!p0 s3, s7;
	s7 =	simm.s32 @!p0 $0x108  }
0x21: {  	s3 =	sadd.s32 s3, s9;
	s6 =	sadd.s32 @!p0 $0x88, s6;
	s7 =	simm.s32 @p2 $0x1082  }
0x22: {  	[simem:s7], [sflag:s8] =	dma.local @!p0 [hbm:s6], $0xF7A  }
0x23: {  	s9 =	sor.u32 $0xD0000000, s2;
	s6 =	simm.s32 $0x108;
	_ =	swait.ge @!p0 [sflag:s8], $0x0  }
0x24: {  	s3 =	sadd.s32 $0x88, s3;
	s6 =	simm.s32 @!p1 $0x1082;
	[sflag:s4] =	ssyncset.s32 $0xFFFFF086  }
0x25: {  	[simem:s6], [sflag:s4] =	dma.local [hbm:s3], $0xF7A  }
0x26: {  	[smem:$0x3F9B] =	sst s1;
	(tag) =	ssettag s2;
	_ =	strace s9  }
0x27: {  	s1 =	sld [smem:$0x3FAB]  }
0x28: {  	s2 =	sld [smem:$0x3FAC]  }
0x29: {  	s4 =	sld [smem:$0x3FAE]  }
0x2a: {  	p0 =	seq.s32 s5, $0x0;
	s5 =	sld [smem:$0x3FAF]  }
0x2b: {  	s6 =	sld [smem:$0x3FB0]  }
0x2c: {  	s7 =	sld [smem:$0x3FB1]  }
0x2d: {  	s3 =	simm.s32 $0x108;
	s8 =	sld [smem:$0x3FB2]  }
0x2e: {  	s3 =	simm.s32 @!p0 $0x1082;
	s9 =	sld [smem:$0x3FB3]  }
0x2f: {  	lr =	sadd.s32 s0, s3;
	s0 =	sld [smem:$0x3FAA]  }
0x30: {  	s3 =	sld [smem:$0x3FAD]  }
0x31: {  	[smem:$0x3FB6] =	sst s10  }
0x32: {  	s10 =	sld [smem:$0x3FB4];
	_ =	sdelay $0x3  }
0x33: {  	p0 =	seq.s32 s10, $0x1;
	s10 =	sld [smem:$0x3FB6];
	_ =	sdelay $0x3  }
0x34: {  	[smem:$0x3FB6] =	sst s10  }
0x35: {  	s10 =	sld [smem:$0x3FB5];
	_ =	sdelay $0x3  }
0x36: {  	p1 =	seq.s32 s10, $0x1;
	s10 =	sld [smem:$0x3FB6];
	_ =	sdelay $0x3  }
0x37: {  	[smem:$0x3FB6] =	sst s10  }
0x38: {  	s10 =	sld [smem:$0x3FB7]  }
0x39: {  	_ = 	snop;
	(pc) =	sbr.ind lr, $3  }
0x3a: {  	_ = 	snop  }
0x3b: {  	_ = 	snop  }
0x3c: {  	p2 =	seq.s32 s10, $0x1;
	s10 =	sld [smem:$0x3FB6]  }
0x3d: {  	_ =	shalt  }
0x3e: {  	_ =	shalt  }
0x3f: {  	_ =	shalt  }
0x40: {  	_ =	shalt  }
0x41: {  	_ =	shalt  }
0x42: {  	_ =	shalt  }
0x43: {  	_ =	shalt  }
0x44: {  	_ =	shalt  }
0x45: {  	_ =	shalt  }
0x46: {  	_ =	shalt  }
0x47: {  	_ =	shalt  }
0x48: {  	_ =	shalt  }
0x49: {  	_ =	shalt  }
0x4a: {  	_ =	shalt  }
0x4b: {  	_ =	shalt  }
0x4c: {  	_ =	shalt  }
0x4d: {  	_ =	shalt  }
0x4e: {  	_ =	shalt  }
0x4f: {  	_ =	shalt  }
0x50: {  	_ =	shalt  }
0x51: {  	_ =	shalt  }
0x52: {  	_ =	shalt  }
0x53: {  	_ =	shalt  }
0x54: {  	_ =	shalt  }
0x55: {  	_ =	shalt  }
0x56: {  	_ =	shalt  }
0x57: {  	_ =	shalt  }
0x58: {  	_ =	shalt  }
0x59: {  	_ =	shalt  }
0x5a: {  	_ =	shalt  }
0x5b: {  	_ =	shalt  }
0x5c: {  	_ =	shalt  }
0x5d: {  	_ =	shalt  }
0x5e: {  	_ =	shalt  }
0x5f: {  	_ =	shalt  }
0x60: {  	_ =	shalt  }
0x61: {  	_ =	shalt  }
0x62: {  	_ =	shalt  }
0x63: {  	_ =	shalt  }
0x64: {  	_ =	shalt  }
0x65: {  	_ =	shalt  }
0x66: {  	_ =	shalt  }
0x67: {  	_ =	shalt  }
0x68: {  	_ =	shalt  }
0x69: {  	_ =	shalt  }
0x6a: {  	_ =	shalt  }
0x6b: {  	_ =	shalt  }
0x6c: {  	_ =	shalt  }
0x6d: {  	_ =	shalt  }
0x6e: {  	_ =	shalt  }
0x6f: {  	_ =	shalt  }
0x70: {  	_ =	shalt  }
0x71: {  	_ =	shalt  }
0x72: {  	_ =	shalt  }
0x73: {  	_ =	shalt  }
0x74: {  	_ =	shalt  }
0x75: {  	_ =	shalt  }
0x76: {  	_ =	shalt  }
0x77: {  	_ =	shalt  }
0x78: {  	_ =	shalt  }
0x79: {  	_ =	shalt  }
0x7a: {  	_ =	shalt  }
0x7b: {  	_ =	shalt  }
0x7c: {  	_ =	shalt  }
0x7d: {  	_ =	shalt  }
0x7e: {  	_ =	shalt  }
0x7f: {  	_ =	shalt  }
0x80: {  	_ =	shalt  }
0x81: {  	_ =	shalt  }
0x82: {  	_ =	shalt  }
0x83: {  	_ =	shalt  }
0x84: {  	_ =	shalt  }
0x85: {  	_ =	shalt  }
0x86: {  	_ =	shalt  }
0x87: {  	_ =	shalt  }
.Lfunc_end0:
.L_simem_size_0:
called_computation.2_lowered:
.L_overlay_start_0:
0x88: {  	s2 =	sld [smem:$0x3FD9]  }
0x89: {  	s3 =	sld [smem:$0x3FFE];
	_ =	sdelay $0x1  }
0x8a: {  	s1 =	srdreg.scid  }
0x8b: {  	s0 =	sand.u32 $0x1, s1  }
0x8c: {  	s17 =	sshll.u32 s0, $0xA;
	s2 =	sadd.s32 s3, s2  }
0x8d: {  	s2 =	sadd.s32 s2, s17  }
0x8e: {  	[smem:$0x3FC2] =	sst s2  }
0x8f: {  	_ = 	snop  }
0x90: {  	s2 =	sld [smem:$0x3FD0];
	(tm) =	ssettm $0x1  }
0x91: {  	s18 =	sld [smem:$0x3FFB];
	_ =	sdelay $0x3  }
0x92: {  	_ =	strace s18  }
0x93: {  	s3 =	sld [smem:$0x3FFC];
	_ =	sdelay $0x3  }
0x94: {  	_ =	strace s3  }
0x95: {  	s3 =	sld [smem:$0x3FFD];
	_ =	sdelay $0x3  }
0x96: {  	_ =	strace s3  }
0x97: {  	_ =	strace $0x8FFFFFFF  }
0x98: {  	s19 =	sld [smem:$0x3FDB];
	_ =	sdelay $0x1  }
0x99: {  	s4 =	simm.s32 $_scs_section_size  }
0x9a: {  	s5 =	simm.s32 $_size__tile_overlayer_lowered;
	s6 =	simm.s32 $_tile_overlayer_lowered  }
0x9b: {  	s22 =	simm.s32 $0x1BFF;
	s21 =	sshll.u32 s6, $0x1;
	s3 =	sadd.s32 s4, s19  }
0x9c: {  	s7 =	simm.s32 $0x0;
	s20 =	sshll.u32 s5, $0x1;
	s5 =	sadd.s32 s21, s3  }
0x9d: {  	[timem:s7], [sflag:s22] =	dma.local [hbm:s5], s20  }
0x9e: {  	_ =	swait.ge [sflag:s22], s20  }
0x9f: {  	s4 =	ssub.s32 $0x0, s20;
	[sflag:s22] =	ssyncset.done $0x0  }
0xa0: {  	[sflag:s22] =	ssyncadd.s32 s4;
	_ =	sdelay $0x1  }
0xa1: {  	s23 =	simm.s32 $0x1B8B  }
0xa2: {  	_ =	swait.ge [sflag:s23], $0x1  }
0xa3: {  	[sflag:s23] =	ssyncset.done $0x0  }
0xa4: {  	s25 =	simm.s32 $0x1B8E;
	s24 =	sld [smem:$0x3FFE];
	[sflag:s23] =	ssyncadd.s32 $0xFFFFFFFF  }
0xa5: {  	s26 =	simm.s32 $execute0_lowered;
	[smem:$0x3FD2] =	sst s25  }
0xa6: {  	s5 =	sshll.u32 s26, $0x1;
	_ =	strace $0x8000004C;
	[dreg:$0x1] =	wrdreg $0xFFFFFFFF  }
0xa7: {  	s28 =	simm.s32 $_size_execute0_lowered;
	s3 =	sadd.s32 s3, s5;
	[dreg:$0x0] =	wrdreg $0x0  }
0xa8: {  	s5 =	sshll.u32 s28, $0x1;
	[dreg:$0x2] =	wrdreg s3  }
0xa9: {  	[dreg:$0x3] =	wrdreg s5  }
0xaa: {  	[dreg:$0x4] =	wrdreg $0xC0  }
0xab: {  	_ =	task [dreg:s7], $0x5FFFF  }
0xac: {  	[dreg:$0x1] =	wrdreg $0xFFFFFFFF  }
0xad: {  	[dreg:$0x0] =	wrdreg $0x60  }
0xae: {  	[dreg:$0x2] =	wrdreg s24  }
0xaf: {  	[dreg:$0x3] =	wrdreg s2  }
0xb0: {  	[dreg:$0x4] =	wrdreg $0x9  }
0xb1: {  	_ =	task.clear_ibuf [dreg:s7], $0x5FFFF;
	_ =	strace $0x9000004C  }
0xb2: {  	s29 =	simm.s32 $0x9;
	_ =	strace $0x8000004E  }
0xb3: {  	_ =	swait.ge [sflag:s29], $0x1  }
0xb4: {  	[sflag:s29] =	ssyncadd.s32 $0xFFFFFFFF  }
0xb5: {  	_ =	strace $0x9000004E  }
0xb6: {  	_ =	sfence  }
0xb7: {  	s30 =	sld [smem:$0x0];
	_ =	sdelay $0x2  }
0xb8: {  	s31 =	sshll.u32 s1, $0xD;
	s1 =	sshrl.u32 s1, $0x2  }
0xb9: {  	s3 =	sand.u32 $0x4000, s31;
	s1 =	sadd.s32 s1, s30  }
0xba: {  	s0 =	sor.u32 s3, s0;
	s1 =	sshll.u32 s1, $0x11  }
0xbb: {  	s0 =	sor.u32 s1, s0  }
0xbc: {  	s0 =	sadd.s32 $0x8F2B, s0  }
0xbd: {  	[sflag:s0] =	ssyncadd.remote.s32 $0x1  }
0xbe: {  	_ =	sfence.sel $0xFFFF  }
0xbf: {  	[dreg:$0x0] =	wrdreg $0xFFFFFFFF;
	(pc) =	sbr.abs _section_cstart, $3  }
0xc0: {  	[dreg:$0x1] =	wrdreg $0xFFFFFFFF  }
0xc1: {  	_ =	task.clear_ibuf [dreg:s7], $0x2FFFF;
	_ =	strace $0x9FFFFFFF  }
0xc2: {  	(tm) =	ssettm $0x7FFFFFFF  }
0xc3: {  	_ =	shalt  }
tec
execute0_lowered:
.L_overlay_start_1:
0x0: {  	(tag) =	ssettag $0x1  }
0x1: {  	s0 =	rddreg [dreg:$0x0]  }
0x2: {  	s1 =	rddreg [dreg:$0x1]  }
0x3: {  	s3 =	srdreg.scid;
	s5 =	stileid.u32;
	s2 =	simm.s32 $0x0  }
0x4: {  	s8 =	simm.s32 $0xA00;
	s9 =	simm.s32 $0x1200;
	[smem:$0x7FF] =	sst s2  }
0x5: {  	s10 =	simm.s32 $0x1A00;
	_ =	strace $0x8000004D;
	[dreg:$0x4] =	wrdreg s8  }
0x6: {  	s11 =	simm.s32 $0x2200;
	s12 =	simm.s32 $0x2A00;
	[dreg:$0x5] =	wrdreg s9  }
0x7: {  	s13 =	simm.s32 $0x3200;
	s14 =	simm.s32 $0x3A00;
	[dreg:$0x6] =	wrdreg s10  }
0x8: {  	s16 =	simm.s32 $0x4200;
	s17 =	simm.s32 $0x4A00;
	[dreg:$0x7] =	wrdreg s11  }
0x9: {  	s19 =	simm.s32 $0x5200;
	s20 =	simm.s32 $0x5A00;
	[dreg:$0x8] =	wrdreg s12  }
0xa: {  	s21 =	simm.s32 $0x6200;
	s22 =	simm.s32 $0x6A00;
	[dreg:$0x9] =	wrdreg s13  }
0xb: {  	s24 =	simm.s32 $0x7200;
	s25 =	simm.s32 $0x7A00;
	[dreg:$0xa] =	wrdreg s14  }
0xc: {  	s26 =	simm.s32 $0x8A00;
	s28 =	simm.s32 $0x2;
	[dreg:$0xb] =	wrdreg s16  }
0xd: {  	s29 =	simm.s32 $0x3;
	s30 =	simm.s32 $0x4;
	[dreg:$0xc] =	wrdreg s17  }
0xe: {  	s31 =	simm.s32 $0x0;
	s4 =	sand.u32 $0x1, s3;
	[dreg:$0xd] =	wrdreg s19  }
0xf: {  	s6 =	sshll.u32 s5, $0x11;
	s3 =	sadd.s32 $0x302600, s0;
	[dreg:$0xe] =	wrdreg s20  }
0x10: {  	s5 =	sshll.u32 s5, $0xA;
	s1 =	sadd.s32 s6, s1;
	[dreg:$0xf] =	wrdreg s21  }
0x11: {  	s7 =	sshll.u32 s4, $0x10;
	s6 =	sshll.u32 s4, $0x9;
	[dreg:$0x10] =	wrdreg s22  }
0x12: {  	s4 =	ssub.s32 $0x2, s4;
	s9 =	simm.s32 $0x5;
	[dreg:$0x11] =	wrdreg s24  }
0x13: {  	s10 =	simm.s32 $0x200;
	[dreg:$0x12] =	wrdreg s25;
	s11 =	simm.s32 $0x8200  }
0x14: {  	[dreg:$0x13] =	wrdreg s26;
	s12 =	simm.s32 $0x9200;
	s13 =	simm.s32 $0x9A00  }
0x15: {  	s14 =	simm.s32 $0xA200;
	s16 =	simm.s32 $0xB200;
	s17 =	simm.s32 $0xBA00  }
0x16: {  	s19 =	simm.s32 $0xCA00;
	s20 =	simm.s32 $0xD200;
	s21 =	simm.s32 $0xDA00  }
0x17: {  	s22 =	simm.s32 $0xE200;
	s24 =	simm.s32 $0xF200;
	s25 =	simm.s32 $0xFA00  }
0x18: {  	s26 =	simm.s32 $0x1;
	s1 =	sadd.s32 s7, s1;
	s5 =	sor.u32 s6, s5  }
0x19: {  	s15 =	sshrl.u32 s4, $0x1;
	s6 =	sadd.s32 $0x302800, s0;
	s7 =	sadd.s32 $0x302900, s0  }
0x1a: {  	[dreg:$0x3] =	wrdreg s1;
	s5 =	sshrl.u32 s5, $0x3;
	s8 =	ssub.s32 s4, s15  }
0x1b: {  	v2 =	vlaneseq.u32;
	s15 =	simm.s32 $0xAA00;
	s5 =	sadd.s32 s5, s0;
	s23 =	smax.u32 s8, $0x1  }
0x1c: {  	vm0 =	vmmov $0xffff;
	v1 =	vshrl.u32 v2, $0x3;
	s18 =	sadd.s32 $0x600, s5;
	s5 =	sadd.s32 $0x302700, s0;
	[dreg:$0x15] =	wrdreg s23  }
0x1d: {  	v0 =	vand.u32 $0x7, v2;
	v2 =	vor.u32 $0x8, v2;
	v1 =	vmul.u32 $0x8, v1;
	s23 =	simm.s32 $0xEA00;
	[dreg:$0x14] =	wrdreg s18;
	s18 =	simm.s32 $0xC200  }
.LBB2_1:
0x1e: {  	s0 =	rddreg [dreg:$0x14]  }
0x1f: {  	[tilespmem:s2], [sflag:$0x5] =	stream.linear.gather [hbm4b:s0+s2], $0x200, $0x38;
	[tilespmem:$0x10200] =	vst v63  }
0x20: {  	_ =	swait.ge [sflag:s9], $0x200  }
0x21: {  	[sflag:s9] =	ssyncset.done $0x0  }
0x22: {  	s1 =	simm.s32 $0x0;
	s0 =	simm.s32 $0x20;
	[sflag:s9] =	ssyncadd.s32 $0xFFFFFE00  }
.LBB2_2:
0x23: {  	v3 =	vld [tilespmem:s0+$0xFFFFFFE0];
	_ =	sdelay $0x4  }
0x24: {  	v4 =	vshll.u32 v3, $0x3  }
0x25: {  	v3 =	vand.u32 $0x7, v3;
	v4 =	vand.u32 $0xFFFFFFC0, v4  }
0x26: {  	v3 =	vor.u32 v3, v4  }
0x27: {  	v4 =	vperm.xlane v3, v0;
	_ =	sdelay $0x1  }
0x28: {  	v4 =	vadd.s32 v1, v4;
	_ =	sdelay $0x4  }
0x29: {  	[tilespmem:s10], [sflag:$0x1] =	stream.indirect_vreg.gather [hbm4b:s3+s2], $0x80, v4, vm0, $0xb8;
	[tilespmem:$0x10200] =	vst v63  }
0x2a: {  	s4 =	rddreg [dreg:$0x4];
	v3 =	vperm.xlane v3, v2  }
0x2b: {  	[tilespmem:s4], [sflag:$0x1] =	stream.indirect_vreg.gather [hbm4b:s5+s2], $0x80, v4, vm0, $0xb8;
	[tilespmem:$0x10200] =	vst v63  }
0x2c: {  	s8 =	rddreg [dreg:$0x5];
	v3 =	vadd.s32 v1, v3  }
0x2d: {  	[tilespmem:s8], [sflag:$0x1] =	stream.indirect_vreg.gather [hbm4b:s6+s2], $0x80, v4, vm0, $0xb8;
	[tilespmem:$0x10200] =	vst v63  }
0x2e: {  	s4 =	rddreg [dreg:$0x6]  }
0x2f: {  	[tilespmem:s4], [sflag:$0x1] =	stream.indirect_vreg.gather [hbm4b:s7+s2], $0x80, v4, vm0, $0xb8;
	[tilespmem:$0x10200] =	vst v63  }
0x30: {  	s8 =	rddreg [dreg:$0x7]  }
0x31: {  	[tilespmem:s8], [sflag:$0x1] =	stream.indirect_vreg.gather [hbm4b:s3+s2], $0x80, v3, vm0, $0xb8;
	[tilespmem:$0x10200] =	vst v63  }
0x32: {  	s4 =	rddreg [dreg:$0x8]  }
0x33: {  	[tilespmem:s4], [sflag:$0x1] =	stream.indirect_vreg.gather [hbm4b:s5+s2], $0x80, v3, vm0, $0xb8;
	[tilespmem:$0x10200] =	vst v63  }
0x34: {  	s8 =	rddreg [dreg:$0x9]  }
0x35: {  	[tilespmem:s8], [sflag:$0x1] =	stream.indirect_vreg.gather [hbm4b:s6+s2], $0x80, v3, vm0, $0xb8;
	[tilespmem:$0x10200] =	vst v63  }
0x36: {  	s4 =	rddreg [dreg:$0xa]  }
0x37: {  	[tilespmem:s4], [sflag:$0x1] =	stream.indirect_vreg.gather [hbm4b:s7+s2], $0x80, v3, vm0, $0xb8;
	[tilespmem:$0x10200] =	vst v63  }
0x38: {  	v3 =	vld [tilespmem:s0+$0xFFFFFFF0];
	_ =	sdelay $0x4  }
0x39: {  	v61 =	vshll.u32 v3, $0x3  }
0x3a: {  	v3 =	vand.u32 $0x7, v3;
	v4 =	vand.u32 $0xFFFFFFC0, v61  }
0x3b: {  	v3 =	vor.u32 v3, v4  }
0x3c: {  	v4 =	vperm.xlane v3, v0;
	_ =	sdelay $0x1  }
0x3d: {  	v4 =	vadd.s32 v1, v4;
	_ =	sdelay $0x3  }
0x3e: {  	s4 =	rddreg [dreg:$0xb]  }
0x3f: {  	[tilespmem:s4], [sflag:$0x1] =	stream.indirect_vreg.gather [hbm4b:s3+s2], $0x80, v4, vm0, $0xb8;
	[tilespmem:$0x10200] =	vst v63  }
0x40: {  	s8 =	rddreg [dreg:$0xc];
	v3 =	vperm.xlane v3, v2  }
0x41: {  	[tilespmem:s8], [sflag:$0x1] =	stream.indirect_vreg.gather [hbm4b:s5+s2], $0x80, v4, vm0, $0xb8;
	[tilespmem:$0x10200] =	vst v63  }
0x42: {  	v3 =	vadd.s32 v1, v3;
	s4 =	rddreg [dreg:$0xd]  }
0x43: {  	[tilespmem:s4], [sflag:$0x1] =	stream.indirect_vreg.gather [hbm4b:s6+s2], $0x80, v4, vm0, $0xb8;
	[tilespmem:$0x10200] =	vst v63  }
0x44: {  	s8 =	rddreg [dreg:$0xe]  }
0x45: {  	[tilespmem:s8], [sflag:$0x1] =	stream.indirect_vreg.gather [hbm4b:s7+s2], $0x80, v4, vm0, $0xb8;
	[tilespmem:$0x10200] =	vst v63  }
0x46: {  	s4 =	rddreg [dreg:$0xf]  }
0x47: {  	[tilespmem:s4], [sflag:$0x1] =	stream.indirect_vreg.gather [hbm4b:s3+s2], $0x80, v3, vm0, $0xb8;
	[tilespmem:$0x10200] =	vst v63  }
0x48: {  	s8 =	rddreg [dreg:$0x10]  }
0x49: {  	[tilespmem:s8], [sflag:$0x1] =	stream.indirect_vreg.gather [hbm4b:s5+s2], $0x80, v3, vm0, $0xb8;
	[tilespmem:$0x10200] =	vst v63  }
0x4a: {  	s4 =	rddreg [dreg:$0x11]  }
0x4b: {  	[tilespmem:s4], [sflag:$0x1] =	stream.indirect_vreg.gather [hbm4b:s6+s2], $0x80, v3, vm0, $0xb8;
	[tilespmem:$0x10200] =	vst v63  }
0x4c: {  	s8 =	rddreg [dreg:$0x12]  }
0x4d: {  	[tilespmem:s8], [sflag:$0x1] =	stream.indirect_vreg.gather [hbm4b:s7+s2], $0x80, v3, vm0, $0xb8;
	[tilespmem:$0x10200] =	vst v63  }
0x4e: {  	v3 =	vld [tilespmem:s0+$0x0];
	_ =	sdelay $0x4  }
0x4f: {  	v62 =	vshll.u32 v3, $0x3  }
0x50: {  	v3 =	vand.u32 $0x7, v3;
	v4 =	vand.u32 $0xFFFFFFC0, v62  }
0x51: {  	v3 =	vor.u32 v3, v4  }
0x52: {  	v4 =	vperm.xlane v3, v0;
	_ =	sdelay $0x1  }
0x53: {  	v4 =	vadd.s32 v1, v4;
	_ =	sdelay $0x4  }
0x54: {  	[tilespmem:s11], [sflag:$0x2] =	stream.indirect_vreg.gather [hbm4b:s3+s2], $0x80, v4, vm0, $0xb8;
	[tilespmem:$0x10200] =	vst v63  }
0x55: {  	s8 =	rddreg [dreg:$0x13];
	v3 =	vperm.xlane v3, v2  }
0x56: {  	[tilespmem:s8], [sflag:$0x2] =	stream.indirect_vreg.gather [hbm4b:s5+s2], $0x80, v4, vm0, $0xb8;
	[tilespmem:$0x10200] =	vst v63  }
0x57: {  	v3 =	vadd.s32 v1, v3  }
0x58: {  	[tilespmem:s12], [sflag:$0x2] =	stream.indirect_vreg.gather [hbm4b:s6+s2], $0x80, v4, vm0, $0xb8;
	[tilespmem:$0x10200] =	vst v63  }
0x59: {  	_ = 	snop  }
0x5a: {  	[tilespmem:s13], [sflag:$0x2] =	stream.indirect_vreg.gather [hbm4b:s7+s2], $0x80, v4, vm0, $0xb8;
	[tilespmem:$0x10200] =	vst v63  }
0x5b: {  	_ = 	snop  }
0x5c: {  	[tilespmem:s14], [sflag:$0x2] =	stream.indirect_vreg.gather [hbm4b:s3+s2], $0x80, v3, vm0, $0xb8;
	[tilespmem:$0x10200] =	vst v63  }
0x5d: {  	_ = 	snop  }
0x5e: {  	[tilespmem:s15], [sflag:$0x2] =	stream.indirect_vreg.gather [hbm4b:s5+s2], $0x80, v3, vm0, $0xb8;
	[tilespmem:$0x10200] =	vst v63  }
0x5f: {  	_ = 	snop  }
0x60: {  	[tilespmem:s16], [sflag:$0x2] =	stream.indirect_vreg.gather [hbm4b:s6+s2], $0x80, v3, vm0, $0xb8;
	[tilespmem:$0x10200] =	vst v63  }
0x61: {  	_ = 	snop  }
0x62: {  	[tilespmem:s17], [sflag:$0x2] =	stream.indirect_vreg.gather [hbm4b:s7+s2], $0x80, v3, vm0, $0xb8;
	[tilespmem:$0x10200] =	vst v63  }
0x63: {  	v3 =	vld [tilespmem:s0+$0x10];
	_ =	sdelay $0x4  }
0x64: {  	v63 =	vshll.u32 v3, $0x3  }
0x65: {  	v3 =	vand.u32 $0x7, v3;
	v4 =	vand.u32 $0xFFFFFFC0, v63  }
0x66: {  	v3 =	vor.u32 v3, v4  }
0x67: {  	v4 =	vperm.xlane v3, v0;
	_ =	sdelay $0x1  }
0x68: {  	v4 =	vadd.s32 v1, v4;
	_ =	sdelay $0x4  }
0x69: {  	[tilespmem:s18], [sflag:$0x2] =	stream.indirect_vreg.gather [hbm4b:s3+s2], $0x80, v4, vm0, $0xb8;
	[tilespmem:$0x10200] =	vst v63  }
0x6a: {  	v3 =	vperm.xlane v3, v2  }
0x6b: {  	[tilespmem:s19], [sflag:$0x2] =	stream.indirect_vreg.gather [hbm4b:s5+s2], $0x80, v4, vm0, $0xb8;
	[tilespmem:$0x10200] =	vst v63  }
0x6c: {  	v3 =	vadd.s32 v1, v3  }
0x6d: {  	[tilespmem:s20], [sflag:$0x2] =	stream.indirect_vreg.gather [hbm4b:s6+s2], $0x80, v4, vm0, $0xb8;
	[tilespmem:$0x10200] =	vst v63  }
0x6e: {  	_ = 	snop  }
0x6f: {  	[tilespmem:s21], [sflag:$0x2] =	stream.indirect_vreg.gather [hbm4b:s7+s2], $0x80, v4, vm0, $0xb8;
	[tilespmem:$0x10200] =	vst v63  }
0x70: {  	_ = 	snop  }
0x71: {  	[tilespmem:s22], [sflag:$0x2] =	stream.indirect_vreg.gather [hbm4b:s3+s2], $0x80, v3, vm0, $0xb8;
	[tilespmem:$0x10200] =	vst v63  }
0x72: {  	_ = 	snop  }
0x73: {  	[tilespmem:s23], [sflag:$0x2] =	stream.indirect_vreg.gather [hbm4b:s5+s2], $0x80, v3, vm0, $0xb8;
	[tilespmem:$0x10200] =	vst v63  }
0x74: {  	_ = 	snop  }
0x75: {  	[tilespmem:s24], [sflag:$0x2] =	stream.indirect_vreg.gather [hbm4b:s6+s2], $0x80, v3, vm0, $0xb8;
	[tilespmem:$0x10200] =	vst v63  }
0x76: {  	_ = 	snop  }
0x77: {  	[tilespmem:s25], [sflag:$0x2] =	stream.indirect_vreg.gather [hbm4b:s7+s2], $0x80, v3, vm0, $0xb8;
	[tilespmem:$0x10200] =	vst v63  }
0x78: {  	_ =	swait.ge [sflag:s26], $0x8000  }
0x79: {  	s8 =	rddreg [dreg:$0x3];
	[sflag:s26] =	ssyncset.done $0x0  }
0x7a: {  	[sflag:s26] =	ssyncadd.s32 $0xFFFF8000;
	s4 =	sadd.s32 s1, s8  }
0x7b: {  	[hbm4b:s4+s2] =	stream.linear.scatter [tilespmem:s10], [sflag:$0x3], $0x8000, $0x38;
	[tilespmem:$0x10200] =	vst v63  }
0x7c: {  	_ =	swait.ge [sflag:s28], $0x8000  }
0x7d: {  	[sflag:s28] =	ssyncset.done $0x0  }
0x7e: {  	s4 =	sadd.s32 $0x1000, s4;
	[sflag:s28] =	ssyncadd.s32 $0xFFFF8000  }
0x7f: {  	[hbm4b:s4+s2] =	stream.linear.scatter [tilespmem:s11], [sflag:$0x4], $0x8000, $0x38;
	[tilespmem:$0x10200] =	vst v63  }
0x80: {  	p0 =	sne.s32 s1, $0xE000;
	_ =	swait.ge [sflag:s29], $0x8000  }
.Ltmp0:
0x81: {  	[sflag:s29] =	ssyncset.done $0x0;
	(pc) =	sbr.rel @p0 .LBB2_2-.Ltmp0, $4  }
0x82: {  	[sflag:s29] =	ssyncadd.s32 $0xFFFF8000  }
0x83: {  	_ =	swait.ge [sflag:s30], $0x8000  }
0x84: {  	[sflag:s30] =	ssyncset.done $0x0  }
0x85: {  	s0 =	sadd.s32 $0x40, s0;
	s1 =	sadd.s32 $0x2000, s1;
	[sflag:s30] =	ssyncadd.s32 $0xFFFF8000  }
0x86: {  	s31 =	sadd.s32 $0x1, s31;
	s0 =	rddreg [dreg:$0x15]  }
0x87: {  	p0 =	sne.s32 s31, s0  }
.Ltmp1:
0x88: {  	_ = 	snop;
	(pc) =	sbr.rel @p0 .LBB2_1-.Ltmp1, $1  }
0x89: {  	_ =	sdelay $0x3  }
0x8a: {  	_ =	sfence.sel $0x180000  }
0x8b: {  	[bflag:$0x0] =	sbarrier.arrive $0xFFFF  }
0x8c: {  	_ =	strace $0x9000004D  }
0x8d: {  	s0 =	stileid.u32;
	[bflag:$0x2] =	sbarrier.arrive $0xFFFF  }
0x8e: {  	p0 =	sne.s32 s0, $0x0;
	s0 =	rddreg [dreg:$0x2]  }
0x8f: {  	s0 =	sadd.s32 @!p0 $0x100000, s0  }
0x90: {  	[sflag:s0] =	ssyncadd.tile.s32 @!p0 $0x1;
	_ =	shalt  }
.Lfunc_end2:
_tile_overlayer_lowered:
.L_overlay_start_2:
0x91: {  	(tag) =	ssettag $0x2  }
0x92: {  	s0 =	rddreg [dreg:$0x0];
	s2 =	stileid.u32  }
0x93: {  	s1 =	rddreg [dreg:$0x1];
	p0 =	sne.s32 s2, $0x0  }
0x94: {  	s3 =	rddreg [dreg:$0x2];
	[bflag:$0x3] =	sbarrier.arrive $0xFFFF;
	s2 =	simm.s32 @!p0 $0x1C05  }
0x95: {  	[timem:s3], [sflag:s2] =	dma.local @!p0 [hbm:s0], s1  }
0x96: {  	s0 =	simm.s32 @!p0 $0x5  }
0x97: {  	_ =	swait.ge @!p0 [sflag:s0], s1  }
0x98: {  	s1 =	ssub.s32 @!p0 $0x0, s1;
	[sflag:s0] =	ssyncset.done @!p0 $0x0  }
0x99: {  	[sflag:s0] =	ssyncadd.s32 @!p0 s1  }
0x9a: {  	[bflag:$0x3] =	sbarrier.arrive $0xFFFF  }
0x9b: {  	_ =	shalt  }

// kernel: kernel.6.cloned.1.call-start
scs
__scs_entry_jumppad:
0x0: {  	(pc) =	sbr.rel $0x88, $3  }
0x1: {  	(tag) =	ssettag $0x0;
	lr =	simm.s32 $0x1  }
0x2: {  	[smem:$0x3F9B] =	sst lr;
	_ =	strace $0xD0000000  }
0x3: {  	_ = 	snop  }
0x4: {  	_ = 	snop  }
0x5: {  	_ = 	snop  }
0x6: {  	_ = 	snop  }
0x7: {  	_ = 	snop  }
__scs_overlays_trampoline_lowered:
0x8: {  	[smem:$0x3FAA] =	sst s0  }
0x9: {  	[smem:$0x3FAB] =	sst s1  }
0xa: {  	[smem:$0x3FAC] =	sst s2  }
0xb: {  	[smem:$0x3FAD] =	sst s3  }
0xc: {  	[smem:$0x3FAE] =	sst s4  }
0xd: {  	[smem:$0x3FAF] =	sst s5  }
0xe: {  	[smem:$0x3FB0] =	sst s6  }
0xf: {  	[smem:$0x3FB1] =	sst s7  }
0x10: {  	[smem:$0x3FB2] =	sst s8  }
0x11: {  	[smem:$0x3FB3] =	sst s9;
	s0 =	simm.s32 @!p0 $0x0  }
0x12: {  	s1 =	sld [smem:$0x3F99];
	s0 =	simm.s32 @p0 $0x1  }
0x13: {  	[smem:$0x3FB4] =	sst s0;
	s0 =	simm.s32 @!p1 $0x0  }
0x14: {  	s2 =	sld [smem:$0x3F98];
	s0 =	simm.s32 @p1 $0x1  }
0x15: {  	[smem:$0x3FB5] =	sst s0;
	s0 =	simm.s32 @!p2 $0x0  }
0x16: {  	s3 =	sld [smem:$0x3FDB];
	s0 =	simm.s32 @p2 $0x1  }
0x17: {  	s4 =	simm.s32 $0x1BF5;
	[smem:$0x3FB7] =	sst s0  }
0x18: {  	s0 =	sld [smem:$0x3F9A];
	_ =	swait.ge [sflag:s4], $0x0  }
0x19: {  	s7 =	sld [smem:$0x3F9B]  }
0x1a: {  	s8 =	sadd.s32 $0xFFFFE003, lr  }
0x1b: {  	s9 =	sadd.s32 $0xFFFFFEF7, lr;
	s5 =	simm.s32 $0xFFFFFFFF;
	p2 =	slt.u32 s8, $0xFFFFF086  }
0x1c: {  	p1 =	slt.u32 s9, $0xF7A;
	s5 =	simm.s32 @!p2 $0x0  }
0x1d: {  	s5 =	simm.s32 @p1 $0x1;
	p0 =	seq.s32 s7, s2  }
0x1e: {  	s7 =	smul.u32 @!p0 $0xF7A, s2;
	p2 =	seq.s32 @!p0 s5, $0x0  }
0x1f: {  	s9 =	smul.u32 $0xF7A, s1;
	s8 =	simm.s32 @!p0 $0x1BF5;
	p2 =	por !p2, p0  }
0x20: {  	[sflag:s8] =	ssyncset.s32 @!p0 $0xFFFFF086;
	s6 =	sadd.s32 @!p0 s3, s7;
	s7 =	simm.s32 @!p0 $0x108  }
0x21: {  	s3 =	sadd.s32 s3, s9;
	s6 =	sadd.s32 @!p0 $0x88, s6;
	s7 =	simm.s32 @p2 $0x1082  }
0x22: {  	[simem:s7], [sflag:s8] =	dma.local @!p0 [hbm:s6], $0xF7A  }
0x23: {  	s9 =	sor.u32 $0xD0000000, s2;
	s6 =	simm.s32 $0x108;
	_ =	swait.ge @!p0 [sflag:s8], $0x0  }
0x24: {  	s3 =	sadd.s32 $0x88, s3;
	s6 =	simm.s32 @!p1 $0x1082;
	[sflag:s4] =	ssyncset.s32 $0xFFFFF086  }
0x25: {  	[simem:s6], [sflag:s4] =	dma.local [hbm:s3], $0xF7A  }
0x26: {  	[smem:$0x3F9B] =	sst s1;
	(tag) =	ssettag s2;
	_ =	strace s9  }
0x27: {  	s1 =	sld [smem:$0x3FAB]  }
0x28: {  	s2 =	sld [smem:$0x3FAC]  }
0x29: {  	s4 =	sld [smem:$0x3FAE]  }
0x2a: {  	p0 =	seq.s32 s5, $0x0;
	s5 =	sld [smem:$0x3FAF]  }
0x2b: {  	s6 =	sld [smem:$0x3FB0]  }
0x2c: {  	s7 =	sld [smem:$0x3FB1]  }
0x2d: {  	s3 =	simm.s32 $0x108;
	s8 =	sld [smem:$0x3FB2]  }
0x2e: {  	s3 =	simm.s32 @!p0 $0x1082;
	s9 =	sld [smem:$0x3FB3]  }
0x2f: {  	lr =	sadd.s32 s0, s3;
	s0 =	sld [smem:$0x3FAA]  }
0x30: {  	s3 =	sld [smem:$0x3FAD]  }
0x31: {  	[smem:$0x3FB6] =	sst s10  }
0x32: {  	s10 =	sld [smem:$0x3FB4];
	_ =	sdelay $0x3  }
0x33: {  	p0 =	seq.s32 s10, $0x1;
	s10 =	sld [smem:$0x3FB6];
	_ =	sdelay $0x3  }
0x34: {  	[smem:$0x3FB6] =	sst s10  }
0x35: {  	s10 =	sld [smem:$0x3FB5];
	_ =	sdelay $0x3  }
0x36: {  	p1 =	seq.s32 s10, $0x1;
	s10 =	sld [smem:$0x3FB6];
	_ =	sdelay $0x3  }
0x37: {  	[smem:$0x3FB6] =	sst s10  }
0x38: {  	s10 =	sld [smem:$0x3FB7]  }
0x39: {  	_ = 	snop;
	(pc) =	sbr.ind lr, $3  }
0x3a: {  	_ = 	snop  }
0x3b: {  	_ = 	snop  }
0x3c: {  	p2 =	seq.s32 s10, $0x1;
	s10 =	sld [smem:$0x3FB6]  }
0x3d: {  	_ =	shalt  }
0x3e: {  	_ =	shalt  }
0x3f: {  	_ =	shalt  }
0x40: {  	_ =	shalt  }
0x41: {  	_ =	shalt  }
0x42: {  	_ =	shalt  }
0x43: {  	_ =	shalt  }
0x44: {  	_ =	shalt  }
0x45: {  	_ =	shalt  }
0x46: {  	_ =	shalt  }
0x47: {  	_ =	shalt  }
0x48: {  	_ =	shalt  }
0x49: {  	_ =	shalt  }
0x4a: {  	_ =	shalt  }
0x4b: {  	_ =	shalt  }
0x4c: {  	_ =	shalt  }
0x4d: {  	_ =	shalt  }
0x4e: {  	_ =	shalt  }
0x4f: {  	_ =	shalt  }
0x50: {  	_ =	shalt  }
0x51: {  	_ =	shalt  }
0x52: {  	_ =	shalt  }
0x53: {  	_ =	shalt  }
0x54: {  	_ =	shalt  }
0x55: {  	_ =	shalt  }
0x56: {  	_ =	shalt  }
0x57: {  	_ =	shalt  }
0x58: {  	_ =	shalt  }
0x59: {  	_ =	shalt  }
0x5a: {  	_ =	shalt  }
0x5b: {  	_ =	shalt  }
0x5c: {  	_ =	shalt  }
0x5d: {  	_ =	shalt  }
0x5e: {  	_ =	shalt  }
0x5f: {  	_ =	shalt  }
0x60: {  	_ =	shalt  }
0x61: {  	_ =	shalt  }
0x62: {  	_ =	shalt  }
0x63: {  	_ =	shalt  }
0x64: {  	_ =	shalt  }
0x65: {  	_ =	shalt  }
0x66: {  	_ =	shalt  }
0x67: {  	_ =	shalt  }
0x68: {  	_ =	shalt  }
0x69: {  	_ =	shalt  }
0x6a: {  	_ =	shalt  }
0x6b: {  	_ =	shalt  }
0x6c: {  	_ =	shalt  }
0x6d: {  	_ =	shalt  }
0x6e: {  	_ =	shalt  }
0x6f: {  	_ =	shalt  }
0x70: {  	_ =	shalt  }
0x71: {  	_ =	shalt  }
0x72: {  	_ =	shalt  }
0x73: {  	_ =	shalt  }
0x74: {  	_ =	shalt  }
0x75: {  	_ =	shalt  }
0x76: {  	_ =	shalt  }
0x77: {  	_ =	shalt  }
0x78: {  	_ =	shalt  }
0x79: {  	_ =	shalt  }
0x7a: {  	_ =	shalt  }
0x7b: {  	_ =	shalt  }
0x7c: {  	_ =	shalt  }
0x7d: {  	_ =	shalt  }
0x7e: {  	_ =	shalt  }
0x7f: {  	_ =	shalt  }
0x80: {  	_ =	shalt  }
0x81: {  	_ =	shalt  }
0x82: {  	_ =	shalt  }
0x83: {  	_ =	shalt  }
0x84: {  	_ =	shalt  }
0x85: {  	_ =	shalt  }
0x86: {  	_ =	shalt  }
0x87: {  	_ =	shalt  }
.Lfunc_end0:
.L_simem_size_0:
called_computation_lowered:
.L_overlay_start_0:
0x88: {  	s2 =	sld [smem:$0x3FD9]  }
0x89: {  	s3 =	sld [smem:$0x3FFE];
	_ =	sdelay $0x1  }
0x8a: {  	s1 =	srdreg.scid  }
0x8b: {  	s0 =	sand.u32 $0x1, s1  }
0x8c: {  	s17 =	sshll.u32 s0, $0xA;
	s2 =	sadd.s32 s3, s2  }
0x8d: {  	s2 =	sadd.s32 s2, s17  }
0x8e: {  	[smem:$0x3FC2] =	sst s2  }
0x8f: {  	_ = 	snop  }
0x90: {  	s2 =	sld [smem:$0x3FD0];
	(tm) =	ssettm $0x1  }
0x91: {  	s18 =	sld [smem:$0x3FFB];
	_ =	sdelay $0x3  }
0x92: {  	_ =	strace s18  }
0x93: {  	s3 =	sld [smem:$0x3FFC];
	_ =	sdelay $0x3  }
0x94: {  	_ =	strace s3  }
0x95: {  	s3 =	sld [smem:$0x3FFD];
	_ =	sdelay $0x3  }
0x96: {  	_ =	strace s3  }
0x97: {  	_ =	strace $0x8FFFFFFF  }
0x98: {  	s19 =	sld [smem:$0x3FDB];
	_ =	sdelay $0x1  }
0x99: {  	s4 =	simm.s32 $_scs_section_size  }
0x9a: {  	s5 =	simm.s32 $_size__tile_overlayer_lowered;
	s6 =	simm.s32 $_tile_overlayer_lowered  }
0x9b: {  	s22 =	simm.s32 $0x1BFF;
	s21 =	sshll.u32 s6, $0x1;
	s3 =	sadd.s32 s4, s19  }
0x9c: {  	s7 =	simm.s32 $0x0;
	s20 =	sshll.u32 s5, $0x1;
	s5 =	sadd.s32 s21, s3  }
0x9d: {  	[timem:s7], [sflag:s22] =	dma.local [hbm:s5], s20  }
0x9e: {  	_ =	swait.ge [sflag:s22], s20  }
0x9f: {  	s4 =	ssub.s32 $0x0, s20;
	[sflag:s22] =	ssyncset.done $0x0  }
0xa0: {  	[sflag:s22] =	ssyncadd.s32 s4;
	_ =	sdelay $0x1  }
0xa1: {  	s23 =	simm.s32 $0x1B8B  }
0xa2: {  	_ =	swait.ge [sflag:s23], $0x1  }
0xa3: {  	[sflag:s23] =	ssyncset.done $0x0  }
0xa4: {  	s25 =	simm.s32 $0x1B8E;
	s24 =	sld [smem:$0x3FFE];
	[sflag:s23] =	ssyncadd.s32 $0xFFFFFFFF  }
0xa5: {  	s26 =	simm.s32 $execute0_lowered;
	[smem:$0x3FD2] =	sst s25  }
0xa6: {  	s5 =	sshll.u32 s26, $0x1;
	_ =	strace $0x80000046;
	[dreg:$0x1] =	wrdreg $0xFFFFFFFF  }
0xa7: {  	s28 =	simm.s32 $_size_execute0_lowered;
	s3 =	sadd.s32 s3, s5;
	[dreg:$0x0] =	wrdreg $0x0  }
0xa8: {  	s5 =	sshll.u32 s28, $0x1;
	[dreg:$0x2] =	wrdreg s3  }
0xa9: {  	[dreg:$0x3] =	wrdreg s5  }
0xaa: {  	[dreg:$0x4] =	wrdreg $0xC0  }
0xab: {  	_ =	task [dreg:s7], $0x5FFFF  }
0xac: {  	[dreg:$0x1] =	wrdreg $0xFFFFFFFF  }
0xad: {  	[dreg:$0x0] =	wrdreg $0x60  }
0xae: {  	[dreg:$0x2] =	wrdreg s24  }
0xaf: {  	[dreg:$0x3] =	wrdreg s2  }
0xb0: {  	[dreg:$0x4] =	wrdreg $0x9  }
0xb1: {  	_ =	task.clear_ibuf [dreg:s7], $0x5FFFF;
	_ =	strace $0x90000046  }
0xb2: {  	s29 =	simm.s32 $0x9;
	_ =	strace $0x80000048  }
0xb3: {  	_ =	swait.ge [sflag:s29], $0x1  }
0xb4: {  	[sflag:s29] =	ssyncadd.s32 $0xFFFFFFFF  }
0xb5: {  	_ =	strace $0x90000048  }
0xb6: {  	_ =	sfence  }
0xb7: {  	s30 =	sld [smem:$0x0];
	_ =	sdelay $0x2  }
0xb8: {  	s31 =	sshll.u32 s1, $0xD;
	s1 =	sshrl.u32 s1, $0x2  }
0xb9: {  	s3 =	sand.u32 $0x4000, s31;
	s1 =	sadd.s32 s1, s30  }
0xba: {  	s0 =	sor.u32 s3, s0;
	s1 =	sshll.u32 s1, $0x11  }
0xbb: {  	s0 =	sor.u32 s1, s0  }
0xbc: {  	s0 =	sadd.s32 $0x8F2B, s0  }
0xbd: {  	[sflag:s0] =	ssyncadd.remote.s32 $0x1  }
0xbe: {  	_ =	sfence.sel $0xFFFF  }
0xbf: {  	[dreg:$0x0] =	wrdreg $0xFFFFFFFF;
	(pc) =	sbr.abs _section_cstart, $3  }
0xc0: {  	[dreg:$0x1] =	wrdreg $0xFFFFFFFF  }
0xc1: {  	_ =	task.clear_ibuf [dreg:s7], $0x2FFFF;
	_ =	strace $0x9FFFFFFF  }
0xc2: {  	(tm) =	ssettm $0x7FFFFFFF  }
0xc3: {  	_ =	shalt  }
tec
execute0_lowered:
.L_overlay_start_1:
0x0: {  	(tag) =	ssettag $0x1  }
0x1: {  	s0 =	srdreg.scid  }
0x2: {  	s3 =	sand.u32 $0x1, s0;
	s0 =	stileid.u32  }
0x3: {  	s4 =	sshll.u32 s0, $0x1;
	s6 =	ssub.s32 $0x0, s3  }
0x4: {  	p0 =	sne.s32 s4, s6  }
.Ltmp0:
0x5: {  	_ = 	snop;
	(pc) =	sbr.rel @p0 .LBB2_7-.Ltmp0, $4  }
0x6: {  	_ = 	snop  }
0x7: {  	s5 =	rddreg [dreg:$0x0]  }
0x8: {  	s2 =	rddreg [dreg:$0x1]  }
0x9: {  	s1 =	rddreg [dreg:$0x2];
	_ =	strace $0x80000047  }
0xa: {  	s4 =	ssub.s32 $0x2, s3  }
0xb: {  	s3 =	sadd.s32 $0x600, s5;
	s7 =	simm.s32 $0x0;
	s8 =	simm.s32 $0xC000  }
0xc: {  	s9 =	simm.s32 $0x1;
	s10 =	simm.s32 $0x10000;
	s6 =	sshrl.u32 s4, $0x1  }
0xd: {  	v0 =	vlaneseq.u32;
	s11 =	simm.s32 $0x6000;
	s12 =	simm.s32 $0x0;
	s6 =	ssub.s32 s4, s6  }
0xe: {  	v2 =	vimm.s32 $0x0;
	v1 =	vor.u32 $0xFFFFC000, v0;
	s4 =	sadd.s32 $0x1A00, s5;
	s5 =	sadd.s32 $0xE00, s5;
	s6 =	smax.u32 s6, $0x1  }
.LBB2_2:
0xf: {  	[tilespmem:s8], [sflag:$0x1] =	stream.linear.gather [hbm4b:s3+s7], $0x4000, $0x38;
	[tilespmem:$0x14000] =	vst v63  }
0x10: {  	_ =	swait.ge [sflag:s9], $0x4000  }
0x11: {  	[sflag:s9] =	ssyncset.done $0x0  }
0x12: {  	[sflag:s9] =	ssyncadd.s32 $0xFFFFC000  }
0x13: {  	[tilespmem:s10], [sflag:$0x1] =	stream.linear.gather [hbm4b:s2+s7], $0x4000, $0x38;
	[tilespmem:$0x14000] =	vst v63  }
0x14: {  	_ =	swait.ge [sflag:s9], $0x4000  }
0x15: {  	s13 =	simm.s32 $0x6000;
	[sflag:s9] =	ssyncset.done $0x0  }
0x16: {  	s14 =	simm.s32 $0x0;
	s15 =	simm.s32 $0x0;
	[sflag:s9] =	ssyncadd.s32 $0xFFFFC000  }
.LBB2_3:
0x17: {  	p0 =	sne.s32 s15, $0x5FF0  }
.Ltmp1:
0x18: {  	v3 =	vmov s15;
	(pc) =	sbr.rel @p0 .LBB2_3-.Ltmp1, $4  }
0x19: {  	v4 =	vor.u32 s15, v0;
	vm0 =	vgt.u32 v3, $0x3FFF;
	v3 =	vadd.s32 s15, v1  }
0x1a: {  	v3 =	vsel vm0, v3, v4  }
0x1b: {  	[tilespmem:s14+$0x0] =	vst v3  }
0x1c: {  	s15 =	sadd.s32 $0x10, s15;
	s14 =	sadd.s32 $0x10, s14;
	[tilespmem:s13+$0x0] =	vst v2;
	s13 =	sadd.s32 $0x10, s13  }
0x1d: {  	s13 =	simm.s32 $0xC000  }
0x1e: {  	v3 =	vld [tilespmem:s13+$0x0];
	_ =	sdelay $0x5  }
0x1f: {  	s31 =	simm.s32 $0x0  }
0x20: {  	v4 =	vor.u32 s31, v0  }
0x21: {  	s13 =	simm.s32 $0x10000;
	[tilespmem:v3+s7+$0x0] =	vst.idx.msk $0xffff, v4  }
0x22: {  	v4 =	vld [tilespmem:s13+$0x0];
	_ =	sdelay $0x4  }
0x23: {  	s14 =	simm.s32 $0xC010;
	[tilespmem:v3+s11+$0x0] =	vst.idx.msk $0xffff, v4  }
0x24: {  	s15 =	simm.s32 $0x10;
	s16 =	simm.s32 $0x20;
	v3 =	vld [tilespmem:s14+$0x0]  }
.LBB2_5:
0x25: {  	p0 =	sne.s32 s16, $0x3FF0;
	_ =	sdelay $0x5  }
0x26: {  	v4 =	vor.u32 s15, v0;
	s15 =	smov.u32 s16  }
0x27: {  	s13 =	sadd.s32 $0x10, s13;
	[tilespmem:v3+s7+$0x0] =	vst.idx.msk $0xffff, v4  }
0x28: {  	v4 =	vld [tilespmem:s13+$0x0];
	_ =	sdelay $0x1  }
.Ltmp2:
0x29: {  	(pc) =	sbr.rel @p0 .LBB2_5-.Ltmp2, $3  }
0x2a: {  	_ =	sdelay $0x1  }
0x2b: {  	s14 =	sadd.s32 $0x10, s14;
	[tilespmem:v3+s11+$0x0] =	vst.idx.msk $0xffff, v4  }
0x2c: {  	s16 =	sadd.s32 $0x10, s16;
	v3 =	vld [tilespmem:s14+$0x0]  }
0x2d: {  	_ =	sdelay $0x6  }
0x2e: {  	v4 =	vor.u32 s15, v0  }
0x2f: {  	s13 =	sadd.s32 $0x10, s13;
	[tilespmem:v3+s7+$0x0] =	vst.idx.msk $0xffff, v4  }
0x30: {  	v4 =	vld [tilespmem:s13+$0x0];
	_ =	sdelay $0x4  }
0x31: {  	[tilespmem:v3+s11+$0x0] =	vst.idx.msk $0xffff, v4  }
0x32: {  	[hbm4b:s4+s7] =	stream.linear.scatter [tilespmem:s7], [sflag:$0x1], $0x6000, $0x38;
	[tilespmem:$0x14000] =	vst v63  }
0x33: {  	s12 =	sadd.s32 $0x1, s12;
	_ =	swait.ge [sflag:s9], $0x6000  }
0x34: {  	p0 =	sne.s32 s12, s6;
	[sflag:s9] =	ssyncset.done $0x0  }
.Ltmp3:
0x35: {  	[sflag:s9] =	ssyncadd.s32 $0xFFFFA000;
	(pc) =	sbr.rel @p0 .LBB2_2-.Ltmp3, $4  }
0x36: {  	[hbm4b:s5+s7] =	stream.linear.scatter [tilespmem:s11], [sflag:$0x1], $0x6000, $0x38;
	[tilespmem:$0x14000] =	vst v63  }
0x37: {  	_ =	swait.ge [sflag:s9], $0x6000  }
0x38: {  	[sflag:s9] =	ssyncset.done $0x0  }
0x39: {  	[sflag:s9] =	ssyncadd.s32 $0xFFFFA000  }
.LBB2_7:
0x3a: {  	_ =	sfence.sel $0x180000  }
0x3b: {  	[bflag:$0x0] =	sbarrier.arrive $0xFFFF  }
0x3c: {  	p0 =	sne.s32 s0, $0x0;
	_ =	strace $0x90000047  }
0x3d: {  	s0 =	sadd.s32 @!p0 $0x100000, s1;
	[bflag:$0x2] =	sbarrier.arrive $0xFFFF  }
0x3e: {  	[sflag:s0] =	ssyncadd.tile.s32 @!p0 $0x1;
	_ =	shalt  }
.Lfunc_end2:
_tile_overlayer_lowered:
.L_overlay_start_2:
0x3f: {  	(tag) =	ssettag $0x2  }
0x40: {  	s0 =	rddreg [dreg:$0x0];
	s2 =	stileid.u32  }
0x41: {  	s1 =	rddreg [dreg:$0x1];
	p0 =	sne.s32 s2, $0x0  }
0x42: {  	s3 =	rddreg [dreg:$0x2];
	[bflag:$0x3] =	sbarrier.arrive $0xFFFF;
	s2 =	simm.s32 @!p0 $0x1C01  }
0x43: {  	[timem:s3], [sflag:s2] =	dma.local @!p0 [hbm:s0], s1  }
0x44: {  	s0 =	simm.s32 @!p0 $0x1  }
0x45: {  	_ =	swait.ge @!p0 [sflag:s0], s1  }
0x46: {  	s1 =	ssub.s32 @!p0 $0x0, s1;
	[sflag:s0] =	ssyncset.done @!p0 $0x0  }
0x47: {  	[sflag:s0] =	ssyncadd.s32 @!p0 s1  }
0x48: {  	[bflag:$0x3] =	sbarrier.arrive $0xFFFF  }
0x49: {  	_ =	shalt  }

// kernel: kernel.9.cloned.1.call-start
scs
__scs_entry_jumppad:
0x0: {  	(pc) =	sbr.rel $0x88, $3  }
0x1: {  	(tag) =	ssettag $0x0;
	lr =	simm.s32 $0x1  }
0x2: {  	[smem:$0x3F9B] =	sst lr;
	_ =	strace $0xD0000000  }
0x3: {  	_ = 	snop  }
0x4: {  	_ = 	snop  }
0x5: {  	_ = 	snop  }
0x6: {  	_ = 	snop  }
0x7: {  	_ = 	snop  }
__scs_overlays_trampoline_lowered:
0x8: {  	[smem:$0x3FAA] =	sst s0  }
0x9: {  	[smem:$0x3FAB] =	sst s1  }
0xa: {  	[smem:$0x3FAC] =	sst s2  }
0xb: {  	[smem:$0x3FAD] =	sst s3  }
0xc: {  	[smem:$0x3FAE] =	sst s4  }
0xd: {  	[smem:$0x3FAF] =	sst s5  }
0xe: {  	[smem:$0x3FB0] =	sst s6  }
0xf: {  	[smem:$0x3FB1] =	sst s7  }
0x10: {  	[smem:$0x3FB2] =	sst s8  }
0x11: {  	[smem:$0x3FB3] =	sst s9;
	s0 =	simm.s32 @!p0 $0x0  }
0x12: {  	s1 =	sld [smem:$0x3F99];
	s0 =	simm.s32 @p0 $0x1  }
0x13: {  	[smem:$0x3FB4] =	sst s0;
	s0 =	simm.s32 @!p1 $0x0  }
0x14: {  	s2 =	sld [smem:$0x3F98];
	s0 =	simm.s32 @p1 $0x1  }
0x15: {  	[smem:$0x3FB5] =	sst s0;
	s0 =	simm.s32 @!p2 $0x0  }
0x16: {  	s3 =	sld [smem:$0x3FDB];
	s0 =	simm.s32 @p2 $0x1  }
0x17: {  	s4 =	simm.s32 $0x1BF5;
	[smem:$0x3FB7] =	sst s0  }
0x18: {  	s0 =	sld [smem:$0x3F9A];
	_ =	swait.ge [sflag:s4], $0x0  }
0x19: {  	s7 =	sld [smem:$0x3F9B]  }
0x1a: {  	s8 =	sadd.s32 $0xFFFFE003, lr  }
0x1b: {  	s9 =	sadd.s32 $0xFFFFFEF7, lr;
	s5 =	simm.s32 $0xFFFFFFFF;
	p2 =	slt.u32 s8, $0xFFFFF086  }
0x1c: {  	p1 =	slt.u32 s9, $0xF7A;
	s5 =	simm.s32 @!p2 $0x0  }
0x1d: {  	s5 =	simm.s32 @p1 $0x1;
	p0 =	seq.s32 s7, s2  }
0x1e: {  	s7 =	smul.u32 @!p0 $0xF7A, s2;
	p2 =	seq.s32 @!p0 s5, $0x0  }
0x1f: {  	s9 =	smul.u32 $0xF7A, s1;
	s8 =	simm.s32 @!p0 $0x1BF5;
	p2 =	por !p2, p0  }
0x20: {  	[sflag:s8] =	ssyncset.s32 @!p0 $0xFFFFF086;
	s6 =	sadd.s32 @!p0 s3, s7;
	s7 =	simm.s32 @!p0 $0x108  }
0x21: {  	s3 =	sadd.s32 s3, s9;
	s6 =	sadd.s32 @!p0 $0x88, s6;
	s7 =	simm.s32 @p2 $0x1082  }
0x22: {  	[simem:s7], [sflag:s8] =	dma.local @!p0 [hbm:s6], $0xF7A  }
0x23: {  	s9 =	sor.u32 $0xD0000000, s2;
	s6 =	simm.s32 $0x108;
	_ =	swait.ge @!p0 [sflag:s8], $0x0  }
0x24: {  	s3 =	sadd.s32 $0x88, s3;
	s6 =	simm.s32 @!p1 $0x1082;
	[sflag:s4] =	ssyncset.s32 $0xFFFFF086  }
0x25: {  	[simem:s6], [sflag:s4] =	dma.local [hbm:s3], $0xF7A  }
0x26: {  	[smem:$0x3F9B] =	sst s1;
	(tag) =	ssettag s2;
	_ =	strace s9  }
0x27: {  	s1 =	sld [smem:$0x3FAB]  }
0x28: {  	s2 =	sld [smem:$0x3FAC]  }
0x29: {  	s4 =	sld [smem:$0x3FAE]  }
0x2a: {  	p0 =	seq.s32 s5, $0x0;
	s5 =	sld [smem:$0x3FAF]  }
0x2b: {  	s6 =	sld [smem:$0x3FB0]  }
0x2c: {  	s7 =	sld [smem:$0x3FB1]  }
0x2d: {  	s3 =	simm.s32 $0x108;
	s8 =	sld [smem:$0x3FB2]  }
0x2e: {  	s3 =	simm.s32 @!p0 $0x1082;
	s9 =	sld [smem:$0x3FB3]  }
0x2f: {  	lr =	sadd.s32 s0, s3;
	s0 =	sld [smem:$0x3FAA]  }
0x30: {  	s3 =	sld [smem:$0x3FAD]  }
0x31: {  	[smem:$0x3FB6] =	sst s10  }
0x32: {  	s10 =	sld [smem:$0x3FB4];
	_ =	sdelay $0x3  }
0x33: {  	p0 =	seq.s32 s10, $0x1;
	s10 =	sld [smem:$0x3FB6];
	_ =	sdelay $0x3  }
0x34: {  	[smem:$0x3FB6] =	sst s10  }
0x35: {  	s10 =	sld [smem:$0x3FB5];
	_ =	sdelay $0x3  }
0x36: {  	p1 =	seq.s32 s10, $0x1;
	s10 =	sld [smem:$0x3FB6];
	_ =	sdelay $0x3  }
0x37: {  	[smem:$0x3FB6] =	sst s10  }
0x38: {  	s10 =	sld [smem:$0x3FB7]  }
0x39: {  	_ = 	snop;
	(pc) =	sbr.ind lr, $3  }
0x3a: {  	_ = 	snop  }
0x3b: {  	_ = 	snop  }
0x3c: {  	p2 =	seq.s32 s10, $0x1;
	s10 =	sld [smem:$0x3FB6]  }
0x3d: {  	_ =	shalt  }
0x3e: {  	_ =	shalt  }
0x3f: {  	_ =	shalt  }
0x40: {  	_ =	shalt  }
0x41: {  	_ =	shalt  }
0x42: {  	_ =	shalt  }
0x43: {  	_ =	shalt  }
0x44: {  	_ =	shalt  }
0x45: {  	_ =	shalt  }
0x46: {  	_ =	shalt  }
0x47: {  	_ =	shalt  }
0x48: {  	_ =	shalt  }
0x49: {  	_ =	shalt  }
0x4a: {  	_ =	shalt  }
0x4b: {  	_ =	shalt  }
0x4c: {  	_ =	shalt  }
0x4d: {  	_ =	shalt  }
0x4e: {  	_ =	shalt  }
0x4f: {  	_ =	shalt  }
0x50: {  	_ =	shalt  }
0x51: {  	_ =	shalt  }
0x52: {  	_ =	shalt  }
0x53: {  	_ =	shalt  }
0x54: {  	_ =	shalt  }
0x55: {  	_ =	shalt  }
0x56: {  	_ =	shalt  }
0x57: {  	_ =	shalt  }
0x58: {  	_ =	shalt  }
0x59: {  	_ =	shalt  }
0x5a: {  	_ =	shalt  }
0x5b: {  	_ =	shalt  }
0x5c: {  	_ =	shalt  }
0x5d: {  	_ =	shalt  }
0x5e: {  	_ =	shalt  }
0x5f: {  	_ =	shalt  }
0x60: {  	_ =	shalt  }
0x61: {  	_ =	shalt  }
0x62: {  	_ =	shalt  }
0x63: {  	_ =	shalt  }
0x64: {  	_ =	shalt  }
0x65: {  	_ =	shalt  }
0x66: {  	_ =	shalt  }
0x67: {  	_ =	shalt  }
0x68: {  	_ =	shalt  }
0x69: {  	_ =	shalt  }
0x6a: {  	_ =	shalt  }
0x6b: {  	_ =	shalt  }
0x6c: {  	_ =	shalt  }
0x6d: {  	_ =	shalt  }
0x6e: {  	_ =	shalt  }
0x6f: {  	_ =	shalt  }
0x70: {  	_ =	shalt  }
0x71: {  	_ =	shalt  }
0x72: {  	_ =	shalt  }
0x73: {  	_ =	shalt  }
0x74: {  	_ =	shalt  }
0x75: {  	_ =	shalt  }
0x76: {  	_ =	shalt  }
0x77: {  	_ =	shalt  }
0x78: {  	_ =	shalt  }
0x79: {  	_ =	shalt  }
0x7a: {  	_ =	shalt  }
0x7b: {  	_ =	shalt  }
0x7c: {  	_ =	shalt  }
0x7d: {  	_ =	shalt  }
0x7e: {  	_ =	shalt  }
0x7f: {  	_ =	shalt  }
0x80: {  	_ =	shalt  }
0x81: {  	_ =	shalt  }
0x82: {  	_ =	shalt  }
0x83: {  	_ =	shalt  }
0x84: {  	_ =	shalt  }
0x85: {  	_ =	shalt  }
0x86: {  	_ =	shalt  }
0x87: {  	_ =	shalt  }
.Lfunc_end0:
.L_simem_size_0:
called_computation.1_lowered:
.L_overlay_start_0:
0x88: {  	s2 =	sld [smem:$0x3FD9]  }
0x89: {  	s3 =	sld [smem:$0x3FFE];
	_ =	sdelay $0x1  }
0x8a: {  	s1 =	srdreg.scid  }
0x8b: {  	s0 =	sand.u32 $0x1, s1  }
0x8c: {  	s17 =	sshll.u32 s0, $0xA;
	s2 =	sadd.s32 s3, s2  }
0x8d: {  	s2 =	sadd.s32 s2, s17  }
0x8e: {  	[smem:$0x3FC2] =	sst s2  }
0x8f: {  	_ = 	snop  }
0x90: {  	s2 =	sld [smem:$0x3FC9];
	(tm) =	ssettm $0x1  }
0x91: {  	s18 =	sld [smem:$0x3FFB];
	_ =	sdelay $0x3  }
0x92: {  	_ =	strace s18  }
0x93: {  	s3 =	sld [smem:$0x3FFC];
	_ =	sdelay $0x3  }
0x94: {  	_ =	strace s3  }
0x95: {  	s3 =	sld [smem:$0x3FFD];
	_ =	sdelay $0x3  }
0x96: {  	_ =	strace s3  }
0x97: {  	_ =	strace $0x8FFFFFFF  }
0x98: {  	s19 =	sld [smem:$0x3FDB];
	_ =	sdelay $0x1  }
0x99: {  	s4 =	simm.s32 $_scs_section_size  }
0x9a: {  	s5 =	simm.s32 $_size__tile_overlayer_lowered;
	s6 =	simm.s32 $_tile_overlayer_lowered  }
0x9b: {  	s22 =	simm.s32 $0x1BFF;
	s21 =	sshll.u32 s6, $0x1;
	s3 =	sadd.s32 s4, s19  }
0x9c: {  	s7 =	simm.s32 $0x0;
	s20 =	sshll.u32 s5, $0x1;
	s5 =	sadd.s32 s21, s3  }
0x9d: {  	[timem:s7], [sflag:s22] =	dma.local [hbm:s5], s20  }
0x9e: {  	_ =	swait.ge [sflag:s22], s20  }
0x9f: {  	s4 =	ssub.s32 $0x0, s20;
	[sflag:s22] =	ssyncset.done $0x0  }
0xa0: {  	[sflag:s22] =	ssyncadd.s32 s4;
	_ =	sdelay $0x1  }
0xa1: {  	s23 =	simm.s32 $0x1B8B  }
0xa2: {  	_ =	swait.ge [sflag:s23], $0x1  }
0xa3: {  	[sflag:s23] =	ssyncset.done $0x0  }
0xa4: {  	s25 =	simm.s32 $0x1B8E;
	s24 =	sld [smem:$0x3FFE];
	[sflag:s23] =	ssyncadd.s32 $0xFFFFFFFF  }
0xa5: {  	s26 =	simm.s32 $execute0_lowered;
	[smem:$0x3FD2] =	sst s25  }
0xa6: {  	s5 =	sshll.u32 s26, $0x1;
	_ =	strace $0x80000049;
	[dreg:$0x1] =	wrdreg $0xFFFFFFFF  }
0xa7: {  	s28 =	simm.s32 $_size_execute0_lowered;
	s3 =	sadd.s32 s3, s5;
	[dreg:$0x0] =	wrdreg $0x0  }
0xa8: {  	s5 =	sshll.u32 s28, $0x1;
	[dreg:$0x2] =	wrdreg s3  }
0xa9: {  	[dreg:$0x3] =	wrdreg s5  }
0xaa: {  	[dreg:$0x4] =	wrdreg $0xC0  }
0xab: {  	_ =	task [dreg:s7], $0x5FFFF  }
0xac: {  	[dreg:$0x1] =	wrdreg $0xFFFFFFFF  }
0xad: {  	[dreg:$0x0] =	wrdreg $0x60  }
0xae: {  	[dreg:$0x2] =	wrdreg s2  }
0xaf: {  	[dreg:$0x3] =	wrdreg s24  }
0xb0: {  	[dreg:$0x4] =	wrdreg $0x9  }
0xb1: {  	_ =	task.clear_ibuf [dreg:s7], $0x5FFFF;
	_ =	strace $0x90000049  }
0xb2: {  	s29 =	simm.s32 $0x9;
	_ =	strace $0x8000004B  }
0xb3: {  	_ =	swait.ge [sflag:s29], $0x1  }
0xb4: {  	[sflag:s29] =	ssyncadd.s32 $0xFFFFFFFF  }
0xb5: {  	_ =	strace $0x9000004B  }
0xb6: {  	_ =	sfence  }
0xb7: {  	s30 =	sld [smem:$0x0];
	_ =	sdelay $0x2  }
0xb8: {  	s31 =	sshll.u32 s1, $0xD;
	s1 =	sshrl.u32 s1, $0x2  }
0xb9: {  	s3 =	sand.u32 $0x4000, s31;
	s1 =	sadd.s32 s1, s30  }
0xba: {  	s0 =	sor.u32 s3, s0;
	s1 =	sshll.u32 s1, $0x11  }
0xbb: {  	s0 =	sor.u32 s1, s0  }
0xbc: {  	s0 =	sadd.s32 $0x8F2B, s0  }
0xbd: {  	[sflag:s0] =	ssyncadd.remote.s32 $0x1  }
0xbe: {  	_ =	sfence.sel $0xFFFF  }
0xbf: {  	[dreg:$0x0] =	wrdreg $0xFFFFFFFF;
	(pc) =	sbr.abs _section_cstart, $3  }
0xc0: {  	[dreg:$0x1] =	wrdreg $0xFFFFFFFF  }
0xc1: {  	_ =	task.clear_ibuf [dreg:s7], $0x2FFFF;
	_ =	strace $0x9FFFFFFF  }
0xc2: {  	(tm) =	ssettm $0x7FFFFFFF  }
0xc3: {  	_ =	shalt  }
tec
execute0_lowered:
.L_overlay_start_1:
0x0: {  	(tag) =	ssettag $0x1  }
0x1: {  	s2 =	rddreg [dreg:$0x0]  }
0x2: {  	s4 =	rddreg [dreg:$0x1];
	s3 =	simm.s32 $0x0  }
0x3: {  	s10 =	simm.s32 $0xB00;
	[smem:$0x7FF] =	sst s3  }
0x4: {  	s11 =	simm.s32 $0x1300;
	_ =	strace $0x8000004A;
	[dreg:$0x4] =	wrdreg s10  }
0x5: {  	s0 =	srdreg.scid;
	s12 =	simm.s32 $0x1B00;
	[dreg:$0x5] =	wrdreg s11  }
0x6: {  	s6 =	stileid.u32;
	s13 =	simm.s32 $0x2300;
	[dreg:$0x6] =	wrdreg s12  }
0x7: {  	s14 =	simm.s32 $0x2B00;
	s15 =	simm.s32 $0x3300;
	[dreg:$0x7] =	wrdreg s13  }
0x8: {  	s16 =	simm.s32 $0x3B00;
	s18 =	simm.s32 $0x4300;
	[dreg:$0x8] =	wrdreg s14  }
0x9: {  	s19 =	simm.s32 $0x4B00;
	s20 =	simm.s32 $0x5300;
	[dreg:$0x9] =	wrdreg s15  }
0xa: {  	s21 =	simm.s32 $0x5B00;
	s22 =	simm.s32 $0x6300;
	[dreg:$0xa] =	wrdreg s16  }
0xb: {  	s23 =	simm.s32 $0x6B00;
	s24 =	simm.s32 $0x7300;
	[dreg:$0xb] =	wrdreg s18  }
0xc: {  	s25 =	simm.s32 $0x7B00;
	s26 =	simm.s32 $0x8B00;
	[dreg:$0xc] =	wrdreg s19  }
0xd: {  	s28 =	simm.s32 $0x2;
	s29 =	simm.s32 $0x3;
	[dreg:$0xd] =	wrdreg s20  }
0xe: {  	s30 =	simm.s32 $0x4;
	s31 =	simm.s32 $0x0;
	[dreg:$0xe] =	wrdreg s21  }
0xf: {  	s0 =	sand.u32 $0x1, s0;
	s1 =	smul.u32 $0x30000, s6;
	[dreg:$0xf] =	wrdreg s22  }
0x10: {  	s9 =	sshll.u32 s6, $0x1;
	s6 =	sadd.s32 $0x200, s2;
	[dreg:$0x10] =	wrdreg s23  }
0x11: {  	s7 =	sadd.s32 $0x300, s2;
	s5 =	smul.u32 $0x18000, s0;
	[dreg:$0x11] =	wrdreg s24  }
0x12: {  	s10 =	simm.s32 $0x300;
	[dreg:$0x12] =	wrdreg s25;
	s11 =	simm.s32 $0x8300  }
0x13: {  	[dreg:$0x13] =	wrdreg s26;
	s12 =	simm.s32 $0x9300;
	s13 =	simm.s32 $0x9B00  }
0x14: {  	s14 =	simm.s32 $0xA300;
	s15 =	simm.s32 $0xAB00;
	s16 =	simm.s32 $0xB300  }
0x15: {  	s18 =	simm.s32 $0xC300;
	s19 =	simm.s32 $0xCB00;
	s20 =	simm.s32 $0xD300  }
0x16: {  	s21 =	simm.s32 $0xDB00;
	s22 =	simm.s32 $0xE300;
	s1 =	sadd.s32 s1, s4  }
0x17: {  	s23 =	simm.s32 $0xEB00;
	s1 =	sadd.s32 s5, s1;
	s5 =	sor.u32 s0, s9  }
0x18: {  	s24 =	simm.s32 $0xF300;
	s0 =	ssub.s32 $0x2, s0;
	s5 =	smul.u32 $0x300, s5  }
0x19: {  	s25 =	simm.s32 $0xFB00;
	s26 =	simm.s32 $0x1;
	s17 =	sshrl.u32 s0, $0x1  }
0x1a: {  	s1 =	sadd.s32 $0x2600, s1;
	s0 =	ssub.s32 s0, s17;
	s5 =	sshrl.u32 s5, $0x3  }
0x1b: {  	v2 =	vlaneseq.u32;
	[dreg:$0x3] =	wrdreg s1;
	s0 =	smax.u32 s0, $0x1;
	s4 =	sadd.s32 s5, s4  }
0x1c: {  	vm0 =	vmmov $0xffff;
	v1 =	vshrl.u32 v2, $0x3;
	s9 =	simm.s32 $0x5;
	[dreg:$0x15] =	wrdreg s0;
	s4 =	sadd.s32 $0x1A00, s4  }
0x1d: {  	v0 =	vand.u32 $0x7, v2;
	v2 =	vor.u32 $0x8, v2;
	v1 =	vmul.u32 $0x8, v1;
	s17 =	simm.s32 $0xBB00;
	s5 =	sadd.s32 $0x100, s2;
	[dreg:$0x14] =	wrdreg s4  }
.LBB2_1:
0x1e: {  	s0 =	rddreg [dreg:$0x14]  }
0x1f: {  	[tilespmem:s3], [sflag:$0x5] =	stream.linear.gather [hbm4b:s0+s3], $0x300, $0x38;
	[tilespmem:$0x10300] =	vst v63  }
0x20: {  	_ =	swait.ge [sflag:s9], $0x300  }
0x21: {  	[sflag:s9] =	ssyncset.done $0x0  }
0x22: {  	s1 =	simm.s32 $0x20;
	s0 =	simm.s32 $0x0;
	[sflag:s9] =	ssyncadd.s32 $0xFFFFFD00  }
.LBB2_2:
0x23: {  	v3 =	vld [tilespmem:s1+$0xFFFFFFE0];
	_ =	sdelay $0x4  }
0x24: {  	v4 =	vshll.u32 v3, $0x3  }
0x25: {  	v3 =	vand.u32 $0x7, v3;
	v4 =	vand.u32 $0xFFFFFFC0, v4  }
0x26: {  	v3 =	vor.u32 v3, v4  }
0x27: {  	v4 =	vperm.xlane v3, v0;
	_ =	sdelay $0x1  }
0x28: {  	v4 =	vadd.s32 v1, v4;
	_ =	sdelay $0x4  }
0x29: {  	[tilespmem:s10], [sflag:$0x1] =	stream.indirect_vreg.gather [hbm4b:s2+s3], $0x80, v4, vm0, $0xb8;
	[tilespmem:$0x10300] =	vst v63  }
0x2a: {  	s4 =	rddreg [dreg:$0x4];
	v3 =	vperm.xlane v3, v2  }
0x2b: {  	[tilespmem:s4], [sflag:$0x1] =	stream.indirect_vreg.gather [hbm4b:s5+s3], $0x80, v4, vm0, $0xb8;
	[tilespmem:$0x10300] =	vst v63  }
0x2c: {  	s8 =	rddreg [dreg:$0x5];
	v3 =	vadd.s32 v1, v3  }
0x2d: {  	[tilespmem:s8], [sflag:$0x1] =	stream.indirect_vreg.gather [hbm4b:s6+s3], $0x80, v4, vm0, $0xb8;
	[tilespmem:$0x10300] =	vst v63  }
0x2e: {  	s4 =	rddreg [dreg:$0x6]  }
0x2f: {  	[tilespmem:s4], [sflag:$0x1] =	stream.indirect_vreg.gather [hbm4b:s7+s3], $0x80, v4, vm0, $0xb8;
	[tilespmem:$0x10300] =	vst v63  }
0x30: {  	s8 =	rddreg [dreg:$0x7]  }
0x31: {  	[tilespmem:s8], [sflag:$0x1] =	stream.indirect_vreg.gather [hbm4b:s2+s3], $0x80, v3, vm0, $0xb8;
	[tilespmem:$0x10300] =	vst v63  }
0x32: {  	s4 =	rddreg [dreg:$0x8]  }
0x33: {  	[tilespmem:s4], [sflag:$0x1] =	stream.indirect_vreg.gather [hbm4b:s5+s3], $0x80, v3, vm0, $0xb8;
	[tilespmem:$0x10300] =	vst v63  }
0x34: {  	s8 =	rddreg [dreg:$0x9]  }
0x35: {  	[tilespmem:s8], [sflag:$0x1] =	stream.indirect_vreg.gather [hbm4b:s6+s3], $0x80, v3, vm0, $0xb8;
	[tilespmem:$0x10300] =	vst v63  }
0x36: {  	s4 =	rddreg [dreg:$0xa]  }
0x37: {  	[tilespmem:s4], [sflag:$0x1] =	stream.indirect_vreg.gather [hbm4b:s7+s3], $0x80, v3, vm0, $0xb8;
	[tilespmem:$0x10300] =	vst v63  }
0x38: {  	v3 =	vld [tilespmem:s1+$0xFFFFFFF0];
	_ =	sdelay $0x4  }
0x39: {  	v61 =	vshll.u32 v3, $0x3  }
0x3a: {  	v3 =	vand.u32 $0x7, v3;
	v4 =	vand.u32 $0xFFFFFFC0, v61  }
0x3b: {  	v3 =	vor.u32 v3, v4  }
0x3c: {  	v4 =	vperm.xlane v3, v0;
	_ =	sdelay $0x1  }
0x3d: {  	v4 =	vadd.s32 v1, v4;
	_ =	sdelay $0x3  }
0x3e: {  	s4 =	rddreg [dreg:$0xb]  }
0x3f: {  	[tilespmem:s4], [sflag:$0x1] =	stream.indirect_vreg.gather [hbm4b:s2+s3], $0x80, v4, vm0, $0xb8;
	[tilespmem:$0x10300] =	vst v63  }
0x40: {  	s8 =	rddreg [dreg:$0xc];
	v3 =	vperm.xlane v3, v2  }
0x41: {  	[tilespmem:s8], [sflag:$0x1] =	stream.indirect_vreg.gather [hbm4b:s5+s3], $0x80, v4, vm0, $0xb8;
	[tilespmem:$0x10300] =	vst v63  }
0x42: {  	v3 =	vadd.s32 v1, v3;
	s4 =	rddreg [dreg:$0xd]  }
0x43: {  	[tilespmem:s4], [sflag:$0x1] =	stream.indirect_vreg.gather [hbm4b:s6+s3], $0x80, v4, vm0, $0xb8;
	[tilespmem:$0x10300] =	vst v63  }
0x44: {  	s8 =	rddreg [dreg:$0xe]  }
0x45: {  	[tilespmem:s8], [sflag:$0x1] =	stream.indirect_vreg.gather [hbm4b:s7+s3], $0x80, v4, vm0, $0xb8;
	[tilespmem:$0x10300] =	vst v63  }
0x46: {  	s4 =	rddreg [dreg:$0xf]  }
0x47: {  	[tilespmem:s4], [sflag:$0x1] =	stream.indirect_vreg.gather [hbm4b:s2+s3], $0x80, v3, vm0, $0xb8;
	[tilespmem:$0x10300] =	vst v63  }
0x48: {  	s8 =	rddreg [dreg:$0x10]  }
0x49: {  	[tilespmem:s8], [sflag:$0x1] =	stream.indirect_vreg.gather [hbm4b:s5+s3], $0x80, v3, vm0, $0xb8;
	[tilespmem:$0x10300] =	vst v63  }
0x4a: {  	s4 =	rddreg [dreg:$0x11]  }
0x4b: {  	[tilespmem:s4], [sflag:$0x1] =	stream.indirect_vreg.gather [hbm4b:s6+s3], $0x80, v3, vm0, $0xb8;
	[tilespmem:$0x10300] =	vst v63  }
0x4c: {  	s8 =	rddreg [dreg:$0x12]  }
0x4d: {  	[tilespmem:s8], [sflag:$0x1] =	stream.indirect_vreg.gather [hbm4b:s7+s3], $0x80, v3, vm0, $0xb8;
	[tilespmem:$0x10300] =	vst v63  }
0x4e: {  	v3 =	vld [tilespmem:s1+$0x0];
	_ =	sdelay $0x4  }
0x4f: {  	v62 =	vshll.u32 v3, $0x3  }
0x50: {  	v3 =	vand.u32 $0x7, v3;
	v4 =	vand.u32 $0xFFFFFFC0, v62  }
0x51: {  	v3 =	vor.u32 v3, v4  }
0x52: {  	v4 =	vperm.xlane v3, v0;
	_ =	sdelay $0x1  }
0x53: {  	v4 =	vadd.s32 v1, v4;
	_ =	sdelay $0x4  }
0x54: {  	[tilespmem:s11], [sflag:$0x2] =	stream.indirect_vreg.gather [hbm4b:s2+s3], $0x80, v4, vm0, $0xb8;
	[tilespmem:$0x10300] =	vst v63  }
0x55: {  	s8 =	rddreg [dreg:$0x13];
	v3 =	vperm.xlane v3, v2  }
0x56: {  	[tilespmem:s8], [sflag:$0x2] =	stream.indirect_vreg.gather [hbm4b:s5+s3], $0x80, v4, vm0, $0xb8;
	[tilespmem:$0x10300] =	vst v63  }
0x57: {  	v3 =	vadd.s32 v1, v3  }
0x58: {  	[tilespmem:s12], [sflag:$0x2] =	stream.indirect_vreg.gather [hbm4b:s6+s3], $0x80, v4, vm0, $0xb8;
	[tilespmem:$0x10300] =	vst v63  }
0x59: {  	_ = 	snop  }
0x5a: {  	[tilespmem:s13], [sflag:$0x2] =	stream.indirect_vreg.gather [hbm4b:s7+s3], $0x80, v4, vm0, $0xb8;
	[tilespmem:$0x10300] =	vst v63  }
0x5b: {  	_ = 	snop  }
0x5c: {  	[tilespmem:s14], [sflag:$0x2] =	stream.indirect_vreg.gather [hbm4b:s2+s3], $0x80, v3, vm0, $0xb8;
	[tilespmem:$0x10300] =	vst v63  }
0x5d: {  	_ = 	snop  }
0x5e: {  	[tilespmem:s15], [sflag:$0x2] =	stream.indirect_vreg.gather [hbm4b:s5+s3], $0x80, v3, vm0, $0xb8;
	[tilespmem:$0x10300] =	vst v63  }
0x5f: {  	_ = 	snop  }
0x60: {  	[tilespmem:s16], [sflag:$0x2] =	stream.indirect_vreg.gather [hbm4b:s6+s3], $0x80, v3, vm0, $0xb8;
	[tilespmem:$0x10300] =	vst v63  }
0x61: {  	_ = 	snop  }
0x62: {  	[tilespmem:s17], [sflag:$0x2] =	stream.indirect_vreg.gather [hbm4b:s7+s3], $0x80, v3, vm0, $0xb8;
	[tilespmem:$0x10300] =	vst v63  }
0x63: {  	v3 =	vld [tilespmem:s1+$0x10];
	_ =	sdelay $0x4  }
0x64: {  	v63 =	vshll.u32 v3, $0x3  }
0x65: {  	v3 =	vand.u32 $0x7, v3;
	v4 =	vand.u32 $0xFFFFFFC0, v63  }
0x66: {  	v3 =	vor.u32 v3, v4  }
0x67: {  	v4 =	vperm.xlane v3, v0;
	_ =	sdelay $0x1  }
0x68: {  	v4 =	vadd.s32 v1, v4;
	_ =	sdelay $0x4  }
0x69: {  	[tilespmem:s18], [sflag:$0x2] =	stream.indirect_vreg.gather [hbm4b:s2+s3], $0x80, v4, vm0, $0xb8;
	[tilespmem:$0x10300] =	vst v63  }
0x6a: {  	v3 =	vperm.xlane v3, v2  }
0x6b: {  	[tilespmem:s19], [sflag:$0x2] =	stream.indirect_vreg.gather [hbm4b:s5+s3], $0x80, v4, vm0, $0xb8;
	[tilespmem:$0x10300] =	vst v63  }
0x6c: {  	v3 =	vadd.s32 v1, v3  }
0x6d: {  	[tilespmem:s20], [sflag:$0x2] =	stream.indirect_vreg.gather [hbm4b:s6+s3], $0x80, v4, vm0, $0xb8;
	[tilespmem:$0x10300] =	vst v63  }
0x6e: {  	_ = 	snop  }
0x6f: {  	[tilespmem:s21], [sflag:$0x2] =	stream.indirect_vreg.gather [hbm4b:s7+s3], $0x80, v4, vm0, $0xb8;
	[tilespmem:$0x10300] =	vst v63  }
0x70: {  	_ = 	snop  }
0x71: {  	[tilespmem:s22], [sflag:$0x2] =	stream.indirect_vreg.gather [hbm4b:s2+s3], $0x80, v3, vm0, $0xb8;
	[tilespmem:$0x10300] =	vst v63  }
0x72: {  	_ = 	snop  }
0x73: {  	[tilespmem:s23], [sflag:$0x2] =	stream.indirect_vreg.gather [hbm4b:s5+s3], $0x80, v3, vm0, $0xb8;
	[tilespmem:$0x10300] =	vst v63  }
0x74: {  	_ = 	snop  }
0x75: {  	[tilespmem:s24], [sflag:$0x2] =	stream.indirect_vreg.gather [hbm4b:s6+s3], $0x80, v3, vm0, $0xb8;
	[tilespmem:$0x10300] =	vst v63  }
0x76: {  	_ = 	snop  }
0x77: {  	[tilespmem:s25], [sflag:$0x2] =	stream.indirect_vreg.gather [hbm4b:s7+s3], $0x80, v3, vm0, $0xb8;
	[tilespmem:$0x10300] =	vst v63  }
0x78: {  	_ =	swait.ge [sflag:s26], $0x8000  }
0x79: {  	s8 =	rddreg [dreg:$0x3];
	[sflag:s26] =	ssyncset.done $0x0  }
0x7a: {  	[sflag:s26] =	ssyncadd.s32 $0xFFFF8000;
	s4 =	sadd.s32 s0, s8  }
0x7b: {  	[hbm4b:s4+s3] =	stream.linear.scatter [tilespmem:s10], [sflag:$0x3], $0x8000, $0x38;
	[tilespmem:$0x10300] =	vst v63  }
0x7c: {  	_ =	swait.ge [sflag:s28], $0x8000  }
0x7d: {  	[sflag:s28] =	ssyncset.done $0x0  }
0x7e: {  	s4 =	sadd.s32 $0x1000, s4;
	[sflag:s28] =	ssyncadd.s32 $0xFFFF8000  }
0x7f: {  	[hbm4b:s4+s3] =	stream.linear.scatter [tilespmem:s11], [sflag:$0x4], $0x8000, $0x38;
	[tilespmem:$0x10300] =	vst v63  }
0x80: {  	p0 =	sne.s32 s0, $0x16000;
	_ =	swait.ge [sflag:s29], $0x8000  }
.Ltmp0:
0x81: {  	[sflag:s29] =	ssyncset.done $0x0;
	(pc) =	sbr.rel @p0 .LBB2_2-.Ltmp0, $4  }
0x82: {  	[sflag:s29] =	ssyncadd.s32 $0xFFFF8000  }
0x83: {  	_ =	swait.ge [sflag:s30], $0x8000  }
0x84: {  	[sflag:s30] =	ssyncset.done $0x0  }
0x85: {  	s1 =	sadd.s32 $0x40, s1;
	s0 =	sadd.s32 $0x2000, s0;
	[sflag:s30] =	ssyncadd.s32 $0xFFFF8000  }
0x86: {  	s31 =	sadd.s32 $0x1, s31;
	s0 =	rddreg [dreg:$0x15]  }
0x87: {  	p0 =	sne.s32 s31, s0  }
.Ltmp1:
0x88: {  	_ = 	snop;
	(pc) =	sbr.rel @p0 .LBB2_1-.Ltmp1, $1  }
0x89: {  	_ =	sdelay $0x3  }
0x8a: {  	_ =	sfence.sel $0x180000  }
0x8b: {  	[bflag:$0x0] =	sbarrier.arrive $0xFFFF  }
0x8c: {  	_ =	strace $0x9000004A  }
0x8d: {  	s0 =	stileid.u32;
	[bflag:$0x2] =	sbarrier.arrive $0xFFFF  }
0x8e: {  	p0 =	sne.s32 s0, $0x0;
	s0 =	rddreg [dreg:$0x2]  }
0x8f: {  	s0 =	sadd.s32 @!p0 $0x100000, s0  }
0x90: {  	[sflag:s0] =	ssyncadd.tile.s32 @!p0 $0x1;
	_ =	shalt  }
.Lfunc_end2:
_tile_overlayer_lowered:
.L_overlay_start_2:
0x91: {  	(tag) =	ssettag $0x2  }
0x92: {  	s0 =	rddreg [dreg:$0x0];
	s2 =	stileid.u32  }
0x93: {  	s1 =	rddreg [dreg:$0x1];
	p0 =	sne.s32 s2, $0x0  }
0x94: {  	s3 =	rddreg [dreg:$0x2];
	[bflag:$0x3] =	sbarrier.arrive $0xFFFF;
	s2 =	simm.s32 @!p0 $0x1C05  }
0x95: {  	[timem:s3], [sflag:s2] =	dma.local @!p0 [hbm:s0], s1  }
0x96: {  	s0 =	simm.s32 @!p0 $0x5  }
0x97: {  	_ =	swait.ge @!p0 [sflag:s0], s1  }
0x98: {  	s1 =	ssub.s32 @!p0 $0x0, s1;
	[sflag:s0] =	ssyncset.done @!p0 $0x0  }
0x99: {  	[sflag:s0] =	ssyncadd.s32 @!p0 s1  }
0x9a: {  	[bflag:$0x3] =	sbarrier.arrive $0xFFFF  }
0x9b: {  	_ =	shalt  }

</sc_bundles>
